<compile_context>
chip_gen: v7x
topology: tpu7x:2x2x1
jax: 0.10.2.dev20260603
libtpu: 0.0.44.dev20260713+nightly
codegen_flags: <defaults>
</compile_context>

<pallas_src>
import functools

import jax
import jax.numpy as jnp
from jax import lax
from jax.experimental import pallas as pl
from jax.experimental.pallas import tpu as pltpu
from jax.experimental.pallas import tpu_sc as plsc

N = 10000
E = 320000
D = 128

NC = 2
NS = 16
NW = NC * NS
CH = 128
NCHUNK = 80
EPW = NCHUNK * CH
EPAD = NW * EPW
NPAD = 10240
RPT = NPAD // NS
CPT = NPAD // NS


def _sc_segsum_body(with_cnt, *refs):
    if with_cnt:
        (y_hbm, src_hbm, dst_hbm, zrows_hbm, zcnt_hbm, ones_hbm,
         out_sum, out_cnt,
         acc, idxd_v, sidx0_v, sidx1_v, rows0_v, rows1_v,
         sem0, sem1, isem0, isem1,
         cacc, ones_v, csem) = refs
    else:
        (y_hbm, src_hbm, dst_hbm, zrows_hbm,
         out_sum,
         acc, idxd_v, sidx0_v, sidx1_v, rows0_v, rows1_v,
         sem0, sem1, isem0, isem1) = refs

    c = lax.axis_index("c")
    s = lax.axis_index("s")
    w = c * NS + s

    pltpu.sync_copy(zrows_hbm, acc.at[pl.ds(s * RPT, RPT)])
    if with_cnt:
        pltpu.sync_copy(zcnt_hbm, cacc.at[pl.ds(s * CPT, CPT)])
        pltpu.sync_copy(ones_hbm, ones_v)
    pltpu.sync_copy(dst_hbm.at[w], idxd_v)

    def idx_dma(i, sidx_v, isem):
        return pltpu.make_async_copy(
            src_hbm.at[w, pl.ds(i * CH, CH)], sidx_v, isem)

    def gather(sidx_v, rows_v, sem):
        return pltpu.make_async_copy(y_hbm.at[sidx_v], rows_v, sem)

    def scatter(i, rows_v):
        pltpu.sync_copy(rows_v, acc.at[idxd_v.at[i]], add=True)
        if with_cnt:
            pltpu.async_copy(ones_v, cacc.at[idxd_v.at[i]], csem, add=True)

    plsc.subcore_barrier()

    pltpu.sync_copy(src_hbm.at[w, pl.ds(0, CH)], sidx0_v)
    pltpu.sync_copy(src_hbm.at[w, pl.ds(CH, CH)], sidx1_v)
    gather(sidx0_v, rows0_v, sem0).start()
    gather(sidx1_v, rows1_v, sem1).start()

    def step(j, carry):
        i0 = 2 * j
        gather(sidx0_v, rows0_v, sem0).wait()
        idx_dma(i0 + 2, sidx0_v, isem0).start()
        scatter(i0, rows0_v)
        idx_dma(i0 + 2, sidx0_v, isem0).wait()
        gather(sidx0_v, rows0_v, sem0).start()
        gather(sidx1_v, rows1_v, sem1).wait()
        idx_dma(i0 + 3, sidx1_v, isem1).start()
        scatter(i0 + 1, rows1_v)
        idx_dma(i0 + 3, sidx1_v, isem1).wait()
        gather(sidx1_v, rows1_v, sem1).start()
        return carry

    lax.fori_loop(0, NCHUNK // 2 - 1, step, 0)
    gather(sidx0_v, rows0_v, sem0).wait()
    scatter(NCHUNK - 2, rows0_v)
    gather(sidx1_v, rows1_v, sem1).wait()
    scatter(NCHUNK - 1, rows1_v)
    if with_cnt:
        def drain(i, carry):
            pltpu.make_async_copy(ones_hbm, ones_v, csem).wait()
            return carry
        lax.fori_loop(0, NCHUNK, drain, 0)
    plsc.subcore_barrier()

    pltpu.sync_copy(acc.at[pl.ds(s * RPT, RPT)],
                    out_sum.at[c, pl.ds(s * RPT, RPT)])
    if with_cnt:
        pltpu.sync_copy(cacc.at[pl.ds(s * CPT, CPT)],
                        out_cnt.at[c, pl.ds(s * CPT, CPT)])


def _make_sc_segsum(with_cnt):
    mesh = plsc.VectorSubcoreMesh(core_axis_name="c", subcore_axis_name="s")
    out_type = [jax.ShapeDtypeStruct((NC, NPAD, D), jnp.float32)]
    scratch = [
        pltpu.VMEM_SHARED((NPAD, D), jnp.float32),
        pltpu.VMEM((NCHUNK, CH), jnp.int32),
        pltpu.VMEM((CH,), jnp.int32),
        pltpu.VMEM((CH,), jnp.int32),
        pltpu.VMEM((CH, D), jnp.float32),
        pltpu.VMEM((CH, D), jnp.float32),
        pltpu.SemaphoreType.DMA,
        pltpu.SemaphoreType.DMA,
        pltpu.SemaphoreType.DMA,
        pltpu.SemaphoreType.DMA,
    ]
    if with_cnt:
        out_type.append(jax.ShapeDtypeStruct((NC, NPAD), jnp.float32))
        scratch += [
            pltpu.VMEM_SHARED((NPAD,), jnp.float32),
            pltpu.VMEM((CH,), jnp.float32),
            pltpu.SemaphoreType.DMA,
        ]
    else:
        out_type = out_type[0]
    return pl.kernel(
        functools.partial(_sc_segsum_body, with_cnt),
        out_type=out_type,
        mesh=mesh,
        scratch_types=scratch,
    )


def _tc_layer_body(do_relu, ps_ref, cnt_ref, xin_ref, wl_ref, wr_ref, b_ref,
                   out_ref):
    cnt_pair = cnt_ref[...]
    cnt = cnt_pair[0] + cnt_pair[1]
    rc = 1.0 / jnp.maximum(cnt, 1.0)
    ps = ps_ref[...]
    mean = (ps[0] + ps[1]) * rc
    o = (jnp.dot(mean, wl_ref[...], preferred_element_type=jnp.float32)
         + jnp.dot(xin_ref[...], wr_ref[...],
                   preferred_element_type=jnp.float32)
         + b_ref[...])
    if do_relu:
        o = jnp.maximum(o, 0.0)
    out_ref[...] = o


BM = 2000

_row_blk = pl.BlockSpec((BM, D), lambda i: (i, 0))
_w_blk = pl.BlockSpec((D, D), lambda i: (0, 0))
_b_blk = pl.BlockSpec((1, D), lambda i: (0, 0))
_ps_blk = pl.BlockSpec((NC, BM, D), lambda i: (0, i, 0))
_cnt_blk = pl.BlockSpec((NC, BM, 1), lambda i: (0, i, 0))


def _make_tc_layer(do_relu):
    return pl.pallas_call(
        functools.partial(_tc_layer_body, do_relu),
        grid=(N // BM,),
        in_specs=[_ps_blk, _cnt_blk, _row_blk, _w_blk, _w_blk, _b_blk],
        out_specs=_row_blk,
        out_shape=jax.ShapeDtypeStruct((N, D), jnp.float32),
    )


_tc_layer1 = _make_tc_layer(True)
_tc_layer2 = _make_tc_layer(False)

_sc_segsum_cnt = _make_sc_segsum(True)
_sc_segsum = _make_sc_segsum(False)


def kernel(x, edge_index, W1_l, b1, W1_r, W2_l, b2, W2_r):
    npad_e = EPAD - E
    src_pad = jnp.arange(npad_e, dtype=jnp.int32) % N
    dst_pad = N + (jnp.arange(npad_e, dtype=jnp.int32) % (NPAD - N))
    src = jnp.concatenate([edge_index[0], src_pad]).reshape(NW, EPW)
    dst = jnp.concatenate([edge_index[1], dst_pad]).reshape(NW, NCHUNK, CH)
    zrows = jnp.zeros((RPT, D), jnp.float32)
    zcnt = jnp.zeros((CPT,), jnp.float32)
    ones = jnp.ones((CH,), jnp.float32)
    b1r = b1.reshape(1, D)
    b2r = b2.reshape(1, D)

    psum1, cnt = _sc_segsum_cnt(x, src, dst, zrows, zcnt, ones)
    cnt3 = cnt.reshape(NC, NPAD, 1)
    h = _tc_layer1(psum1, cnt3, x, W1_l, W1_r, b1r)
    psum2 = _sc_segsum(h, src, dst, zrows)
    return _tc_layer2(psum2, cnt3, h, W2_l, W2_r, b2r)

# --- scband reference (transcript-rebuilt; emitter-appended) ---
"""Pipeline reference for scband-link-predictor-27556510171654 (READ-ONLY COPY).

The authoritative reference and input builder live on the scoring server;
editing this copy changes nothing except your own understanding.
"""

import jax, jax.numpy as jnp
import numpy as np

N = 10000
E = 320000
D_IN = 128
D_H = 128

def setup_inputs(seed: int = 0) -> dict:
    key = jax.random.key(seed)
    ks = jax.random.split(key, 8)
    x = jax.random.normal(ks[0], (N, D_IN), dtype=jnp.float32)
    edge_index = jax.random.randint(ks[1], (2, E), 0, N, dtype=jnp.int32)
    s_in = 1.0 / np.sqrt(D_IN)
    s_h = 1.0 / np.sqrt(D_H)
    # SAGEConv layer 1: lin_l (neighbor aggr, with bias), lin_r (root, no bias)
    W1_l = jax.random.uniform(ks[2], (D_IN, D_H), jnp.float32, -s_in, s_in)
    b1 = jax.random.uniform(ks[3], (D_H,), jnp.float32, -s_in, s_in)
    W1_r = jax.random.uniform(ks[4], (D_IN, D_H), jnp.float32, -s_in, s_in)
    # SAGEConv layer 2
    W2_l = jax.random.uniform(ks[5], (D_H, D_H), jnp.float32, -s_h, s_h)
    b2 = jax.random.uniform(ks[6], (D_H,), jnp.float32, -s_h, s_h)
    W2_r = jax.random.uniform(ks[7], (D_H, D_H), jnp.float32, -s_h, s_h)
    return {"x": x, "edge_index": edge_index, "W1_l": W1_l, "b1": b1, "W1_r": W1_r, "W2_l": W2_l, "b2": b2, "W2_r": W2_r}


def _sage_conv(x, src, dst, W_l, b_l, W_r, num_nodes):
    # PyG SAGEConv with mean aggregation:
    # out = lin_l(mean_{j in N(i)} x_j) + lin_r(x_i)
    msg = jnp.take(x, src, axis=0)
    summed = jax.ops.segment_sum(msg, dst, num_segments=num_nodes)
    cnt = jax.ops.segment_sum(jnp.ones((src.shape[0],), dtype=x.dtype), dst, num_segments=num_nodes)
    mean = summed / jnp.clip(cnt, 1.0)[:, None]
    return mean @ W_l + b_l + x @ W_r


def reference(x, edge_index, W1_l, b1, W1_r, W2_l, b2, W2_r):
    src = edge_index[0]
    dst = edge_index[1]
    n = x.shape[0]
    # GraphSAGE(num_layers=2): conv1 -> relu -> (dropout, eval no-op) -> conv2
    h = _sage_conv(x, src, dst, W1_l, b1, W1_r, n)
    h = jax.nn.relu(h)
    out = _sage_conv(h, src, dst, W2_l, b2, W2_r, n)
    return out

if __name__ == "__main__":
    import jax
    _d = setup_inputs()
    print(jax.jit(kernel)(*tuple(_d.values())))

</pallas_src>

<mosaic_0001>
#map = affine_map<(d0, d1) -> (0, 0)>
#map1 = affine_map<(d0, d1) -> (0, 0, 0)>
module attributes {stable_mosaic.version = 14 : i64} {
  func.func @_sc_segsum_body(%arg0: i32, %arg1: i32, %arg2: memref<10000x128xf32, #tpu.memory_space<hbm>>, %arg3: memref<32x10240xi32, #tpu.memory_space<hbm>>, %arg4: memref<32x80x128xi32, #tpu.memory_space<hbm>>, %arg5: memref<640x128xf32, #tpu.memory_space<hbm>>, %arg6: memref<2x10240x128xf32, #tpu.memory_space<hbm>>, %arg7: memref<10240x128xf32, #tpu.memory_space<vmem_shared>>, %arg8: memref<80x128xi32, #tpu.memory_space<vmem>>, %arg9: memref<128xi32, #tpu.memory_space<vmem>>, %arg10: memref<128xi32, #tpu.memory_space<vmem>>, %arg11: memref<128x128xf32, #tpu.memory_space<vmem>>, %arg12: memref<128x128xf32, #tpu.memory_space<vmem>>, %arg13: memref<!tpu.dma_semaphore, #tpu.memory_space<semaphore_mem>>, %arg14: memref<!tpu.dma_semaphore, #tpu.memory_space<semaphore_mem>>, %arg15: memref<!tpu.dma_semaphore, #tpu.memory_space<semaphore_mem>>, %arg16: memref<!tpu.dma_semaphore, #tpu.memory_space<semaphore_mem>>) attributes {dimension_semantics = [#tpu.dimension_semantics<core_parallel>, #tpu.dimension_semantics<subcore_parallel>], iteration_bounds = array<i64: 2, 16>, scalar_prefetch = 0 : i64, scratch_operands = 10 : i64, tpu.core_type = #tpu.core_type<sc_vector_subcore>, window_params = [{transform_indices = #map}, {transform_indices = #map}, {transform_indices = #map1}, {transform_indices = #map}, {transform_indices = #map1}]} {
    %mul3A = arith.constant 16 : i32
    %mul3A_0 = arith.muli %arg0, %mul3A : i32
    %add3A = arith.addi %mul3A_0, %arg1 : i32
    %mul3A_1 = arith.constant 640 : i32
    %mul3A_2 = arith.muli %arg1, %mul3A_1 : i32
    "tpu.region"() ({
      %run_scoped3A_24 = tpu.sem_alloc : memref<!tpu.dma_semaphore, #tpu.memory_space<semaphore_mem>>
      %dma_start3A_25 = arith.constant 0 : i32
      %dma_start3A_26 = tpu.memref_slice %arg7[%mul3A_2, %dma_start3A_25] : memref<10240x128xf32, #tpu.memory_space<vmem_shared>> -> memref<640x128xf32, #tpu.memory_space<vmem_shared>>
      tpu.enqueue_dma source(%arg5 : memref<640x128xf32, #tpu.memory_space<hbm>>) target(%dma_start3A_26 : memref<640x128xf32, #tpu.memory_space<vmem_shared>>) target_semaphore(%run_scoped3A_24 : memref<!tpu.dma_semaphore, #tpu.memory_space<semaphore_mem>>)
      %dma_wait3A_27 = arith.constant 0 : i32
      %dma_wait3A_28 = tpu.memref_slice %arg7[%mul3A_2, %dma_wait3A_27] : memref<10240x128xf32, #tpu.memory_space<vmem_shared>> -> memref<640x128xf32, #tpu.memory_space<vmem_shared>>
      tpu.wait_dma2 semaphore(%run_scoped3A_24 : memref<!tpu.dma_semaphore, #tpu.memory_space<semaphore_mem>>) src(%arg5 : memref<640x128xf32, #tpu.memory_space<hbm>>) dst(%dma_wait3A_28 : memref<640x128xf32, #tpu.memory_space<vmem_shared>>)
      tpu.yield
    }) : () -> ()
    "tpu.region"() ({
      %run_scoped3A_24 = tpu.sem_alloc : memref<!tpu.dma_semaphore, #tpu.memory_space<semaphore_mem>>
      %dma_start3A_25 = arith.constant 0 : i32
      %dma_start3A_26 = arith.constant 0 : i32
      %dma_start3A_27 = tpu.memref_slice %arg4[%add3A, %dma_start3A_25, %dma_start3A_26] : memref<32x80x128xi32, #tpu.memory_space<hbm>> -> memref<1x80x128xi32, #tpu.memory_space<hbm>>
      %dma_start3A_28 = tpu.memref_squeeze %dma_start3A_27 : memref<1x80x128xi32, #tpu.memory_space<hbm>> -> memref<80x128xi32, #tpu.memory_space<hbm>>
      %dma_start3A_29 = arith.constant 0 : i32
      %dma_start3A_30 = arith.constant 0 : i32
      %dma_start3A_31 = tpu.memref_slice %arg4[%add3A, %dma_start3A_29, %dma_start3A_30] : memref<32x80x128xi32, #tpu.memory_space<hbm>> -> memref<1x80x128xi32, #tpu.memory_space<hbm>>
      %dma_start3A_32 = tpu.memref_squeeze %dma_start3A_31 : memref<1x80x128xi32, #tpu.memory_space<hbm>> -> memref<80x128xi32, #tpu.memory_space<hbm>>
      tpu.enqueue_dma source(%dma_start3A_32 : memref<80x128xi32, #tpu.memory_space<hbm>>) target(%arg8 : memref<80x128xi32, #tpu.memory_space<vmem>>) target_semaphore(%run_scoped3A_24 : memref<!tpu.dma_semaphore, #tpu.memory_space<semaphore_mem>>)
      %dma_wait3A_33 = arith.constant 0 : i32
      %dma_wait3A_34 = arith.constant 0 : i32
      %dma_wait3A_35 = tpu.memref_slice %arg4[%add3A, %dma_wait3A_33, %dma_wait3A_34] : memref<32x80x128xi32, #tpu.memory_space<hbm>> -> memref<1x80x128xi32, #tpu.memory_space<hbm>>
      %dma_wait3A_36 = tpu.memref_squeeze %dma_wait3A_35 : memref<1x80x128xi32, #tpu.memory_space<hbm>> -> memref<80x128xi32, #tpu.memory_space<hbm>>
      %dma_wait3A_37 = arith.constant 0 : i32
      %dma_wait3A_38 = arith.constant 0 : i32
      %dma_wait3A_39 = tpu.memref_slice %arg4[%add3A, %dma_wait3A_37, %dma_wait3A_38] : memref<32x80x128xi32, #tpu.memory_space<hbm>> -> memref<1x80x128xi32, #tpu.memory_space<hbm>>
      %dma_wait3A_40 = tpu.memref_squeeze %dma_wait3A_39 : memref<1x80x128xi32, #tpu.memory_space<hbm>> -> memref<80x128xi32, #tpu.memory_space<hbm>>
      tpu.wait_dma2 semaphore(%run_scoped3A_24 : memref<!tpu.dma_semaphore, #tpu.memory_space<semaphore_mem>>) src(%dma_wait3A_40 : memref<80x128xi32, #tpu.memory_space<hbm>>) dst(%arg8 : memref<80x128xi32, #tpu.memory_space<vmem>>)
      tpu.yield
    }) : () -> ()
    %barrier3A = arith.constant 0 : index
    tpu.barrier barrier_id(%barrier3A)
    "tpu.region"() ({
      %run_scoped3A_24 = tpu.sem_alloc : memref<!tpu.dma_semaphore, #tpu.memory_space<semaphore_mem>>
      %dma_start3A_25 = arith.constant 0 : i32
      %dma_start3A_26 = tpu.memref_slice %arg3[%add3A, %dma_start3A_25] : memref<32x10240xi32, #tpu.memory_space<hbm>> -> memref<1x128xi32, #tpu.memory_space<hbm>>
      %dma_start3A_27 = tpu.memref_squeeze %dma_start3A_26 : memref<1x128xi32, #tpu.memory_space<hbm>> -> memref<128xi32, #tpu.memory_space<hbm>>
      %dma_start3A_28 = arith.constant 0 : i32
      %dma_start3A_29 = tpu.memref_slice %arg3[%add3A, %dma_start3A_28] : memref<32x10240xi32, #tpu.memory_space<hbm>> -> memref<1x128xi32, #tpu.memory_space<hbm>>
      %dma_start3A_30 = tpu.memref_squeeze %dma_start3A_29 : memref<1x128xi32, #tpu.memory_space<hbm>> -> memref<128xi32, #tpu.memory_space<hbm>>
      tpu.enqueue_dma source(%dma_start3A_30 : memref<128xi32, #tpu.memory_space<hbm>>) target(%arg9 : memref<128xi32, #tpu.memory_space<vmem>>) target_semaphore(%run_scoped3A_24 : memref<!tpu.dma_semaphore, #tpu.memory_space<semaphore_mem>>)
      %dma_wait3A_31 = arith.constant 0 : i32
      %dma_wait3A_32 = tpu.memref_slice %arg3[%add3A, %dma_wait3A_31] : memref<32x10240xi32, #tpu.memory_space<hbm>> -> memref<1x128xi32, #tpu.memory_space<hbm>>
      %dma_wait3A_33 = tpu.memref_squeeze %dma_wait3A_32 : memref<1x128xi32, #tpu.memory_space<hbm>> -> memref<128xi32, #tpu.memory_space<hbm>>
      %dma_wait3A_34 = arith.constant 0 : i32
      %dma_wait3A_35 = tpu.memref_slice %arg3[%add3A, %dma_wait3A_34] : memref<32x10240xi32, #tpu.memory_space<hbm>> -> memref<1x128xi32, #tpu.memory_space<hbm>>
      %dma_wait3A_36 = tpu.memref_squeeze %dma_wait3A_35 : memref<1x128xi32, #tpu.memory_space<hbm>> -> memref<128xi32, #tpu.memory_space<hbm>>
      tpu.wait_dma2 semaphore(%run_scoped3A_24 : memref<!tpu.dma_semaphore, #tpu.memory_space<semaphore_mem>>) src(%dma_wait3A_36 : memref<128xi32, #tpu.memory_space<hbm>>) dst(%arg9 : memref<128xi32, #tpu.memory_space<vmem>>)
      tpu.yield
    }) : () -> ()
    "tpu.region"() ({
      %run_scoped3A_24 = tpu.sem_alloc : memref<!tpu.dma_semaphore, #tpu.memory_space<semaphore_mem>>
      %dma_start3A_25 = arith.constant 128 : i32
      %dma_start3A_26 = tpu.memref_slice %arg3[%add3A, %dma_start3A_25] : memref<32x10240xi32, #tpu.memory_space<hbm>> -> memref<1x128xi32, #tpu.memory_space<hbm>>
      %dma_start3A_27 = tpu.memref_squeeze %dma_start3A_26 : memref<1x128xi32, #tpu.memory_space<hbm>> -> memref<128xi32, #tpu.memory_space<hbm>>
      %dma_start3A_28 = arith.constant 128 : i32
      %dma_start3A_29 = tpu.memref_slice %arg3[%add3A, %dma_start3A_28] : memref<32x10240xi32, #tpu.memory_space<hbm>> -> memref<1x128xi32, #tpu.memory_space<hbm>>
      %dma_start3A_30 = tpu.memref_squeeze %dma_start3A_29 : memref<1x128xi32, #tpu.memory_space<hbm>> -> memref<128xi32, #tpu.memory_space<hbm>>
      tpu.enqueue_dma source(%dma_start3A_30 : memref<128xi32, #tpu.memory_space<hbm>>) target(%arg10 : memref<128xi32, #tpu.memory_space<vmem>>) target_semaphore(%run_scoped3A_24 : memref<!tpu.dma_semaphore, #tpu.memory_space<semaphore_mem>>)
      %dma_wait3A_31 = arith.constant 128 : i32
      %dma_wait3A_32 = tpu.memref_slice %arg3[%add3A, %dma_wait3A_31] : memref<32x10240xi32, #tpu.memory_space<hbm>> -> memref<1x128xi32, #tpu.memory_space<hbm>>
      %dma_wait3A_33 = tpu.memref_squeeze %dma_wait3A_32 : memref<1x128xi32, #tpu.memory_space<hbm>> -> memref<128xi32, #tpu.memory_space<hbm>>
      %dma_wait3A_34 = arith.constant 128 : i32
      %dma_wait3A_35 = tpu.memref_slice %arg3[%add3A, %dma_wait3A_34] : memref<32x10240xi32, #tpu.memory_space<hbm>> -> memref<1x128xi32, #tpu.memory_space<hbm>>
      %dma_wait3A_36 = tpu.memref_squeeze %dma_wait3A_35 : memref<1x128xi32, #tpu.memory_space<hbm>> -> memref<128xi32, #tpu.memory_space<hbm>>
      tpu.wait_dma2 semaphore(%run_scoped3A_24 : memref<!tpu.dma_semaphore, #tpu.memory_space<semaphore_mem>>) src(%dma_wait3A_36 : memref<128xi32, #tpu.memory_space<hbm>>) dst(%arg10 : memref<128xi32, #tpu.memory_space<vmem>>)
      tpu.yield
    }) : () -> ()
    %dma_start3A = arith.constant 0 : i32
    %dma_start3A_3 = arith.constant 0 : i32
    %dma_start3A_4 = tpu.memref_slice %arg2[%dma_start3A, %dma_start3A_3] : memref<10000x128xf32, #tpu.memory_space<hbm>> -> memref<10000x128xf32, #tpu.memory_space<hbm>>
    tpu.enqueue_indirect_dma source(%dma_start3A_4 : memref<10000x128xf32, #tpu.memory_space<hbm>>) target(%arg11 : memref<128x128xf32, #tpu.memory_space<vmem>>) offsets(%arg9 : memref<128xi32, #tpu.memory_space<vmem>>) semaphore(%arg13 : memref<!tpu.dma_semaphore, #tpu.memory_space<semaphore_mem>>)
    %dma_start3A_5 = arith.constant 0 : i32
    %dma_start3A_6 = arith.constant 0 : i32
    %dma_start3A_7 = tpu.memref_slice %arg2[%dma_start3A_5, %dma_start3A_6] : memref<10000x128xf32, #tpu.memory_space<hbm>> -> memref<10000x128xf32, #tpu.memory_space<hbm>>
    tpu.enqueue_indirect_dma source(%dma_start3A_7 : memref<10000x128xf32, #tpu.memory_space<hbm>>) target(%arg12 : memref<128x128xf32, #tpu.memory_space<vmem>>) offsets(%arg10 : memref<128xi32, #tpu.memory_space<vmem>>) semaphore(%arg14 : memref<!tpu.dma_semaphore, #tpu.memory_space<semaphore_mem>>)
    %scan3A = arith.constant 0 : i32
    %scan3A_8 = arith.constant 0 : i32
    %scan3A_9 = arith.constant 39 : i32
    %scan3A_10 = arith.addi %scan3A_8, %scan3A_9 : i32
    %scan3A_11 = arith.constant 1 : i32
    scf.for %scan3A_24 = %scan3A_8 to %scan3A_10 step %scan3A_11  : i32 {
      %mul3A_25 = arith.constant 2 : i32
      %mul3A_26 = arith.muli %mul3A_25, %scan3A_24 : i32
      %dma_wait3A_27 = arith.constant 0 : i32
      %dma_wait3A_28 = arith.constant 0 : i32
      %dma_wait3A_29 = tpu.memref_slice %arg2[%dma_wait3A_27, %dma_wait3A_28] : memref<10000x128xf32, #tpu.memory_space<hbm>> -> memref<10000x128xf32, #tpu.memory_space<hbm>>
      tpu.wait_indirect_dma semaphore(%arg13 : memref<!tpu.dma_semaphore, #tpu.memory_space<semaphore_mem>>) src(%dma_wait3A_29 : memref<10000x128xf32, #tpu.memory_space<hbm>>) dst(%arg11 : memref<128x128xf32, #tpu.memory_space<vmem>>)
      %add3A_30 = arith.constant 2 : i32
      %add3A_31 = arith.addi %mul3A_26, %add3A_30 : i32
      %mul3A_32 = arith.constant 128 : i32
      %mul3A_33 = arith.muli %add3A_31, %mul3A_32 : i32
      %dma_start3A_34 = tpu.memref_slice %arg3[%add3A, %mul3A_33] : memref<32x10240xi32, #tpu.memory_space<hbm>> -> memref<1x128xi32, #tpu.memory_space<hbm>>
      %dma_start3A_35 = tpu.memref_squeeze %dma_start3A_34 : memref<1x128xi32, #tpu.memory_space<hbm>> -> memref<128xi32, #tpu.memory_space<hbm>>
      %dma_start3A_36 = tpu.memref_slice %arg3[%add3A, %mul3A_33] : memref<32x10240xi32, #tpu.memory_space<hbm>> -> memref<1x128xi32, #tpu.memory_space<hbm>>
      %dma_start3A_37 = tpu.memref_squeeze %dma_start3A_36 : memref<1x128xi32, #tpu.memory_space<hbm>> -> memref<128xi32, #tpu.memory_space<hbm>>
      tpu.enqueue_dma source(%dma_start3A_37 : memref<128xi32, #tpu.memory_space<hbm>>) target(%arg9 : memref<128xi32, #tpu.memory_space<vmem>>) target_semaphore(%arg15 : memref<!tpu.dma_semaphore, #tpu.memory_space<semaphore_mem>>)
      "tpu.region"() ({
        %run_scoped3A_73 = tpu.sem_alloc : memref<!tpu.dma_semaphore, #tpu.memory_space<semaphore_mem>>
        %dma_start3A_74 = arith.constant 0 : i32
        %dma_start3A_75 = tpu.memref_slice %arg8[%mul3A_26, %dma_start3A_74] : memref<80x128xi32, #tpu.memory_space<vmem>> -> memref<1x128xi32, #tpu.memory_space<vmem>>
        %dma_start3A_76 = tpu.memref_squeeze %dma_start3A_75 : memref<1x128xi32, #tpu.memory_space<vmem>> -> memref<128xi32, #tpu.memory_space<vmem>>
        %dma_start3A_77 = arith.constant 0 : i32
        %dma_start3A_78 = arith.constant 0 : i32
        %dma_start3A_79 = tpu.memref_slice %arg7[%dma_start3A_77, %dma_start3A_78] : memref<10240x128xf32, #tpu.memory_space<vmem_shared>> -> memref<10240x128xf32, #tpu.memory_space<vmem_shared>>
        tpu.enqueue_indirect_dma source(%arg11 : memref<128x128xf32, #tpu.memory_space<vmem>>) target(%dma_start3A_79 : memref<10240x128xf32, #tpu.memory_space<vmem_shared>>) offsets(%dma_start3A_76 : memref<128xi32, #tpu.memory_space<vmem>>) semaphore(%run_scoped3A_73 : memref<!tpu.dma_semaphore, #tpu.memory_space<semaphore_mem>>) {add = true}
        %dma_wait3A_80 = arith.constant 0 : i32
        %dma_wait3A_81 = tpu.memref_slice %arg8[%mul3A_26, %dma_wait3A_80] : memref<80x128xi32, #tpu.memory_space<vmem>> -> memref<1x128xi32, #tpu.memory_space<vmem>>
        %dma_wait3A_82 = tpu.memref_squeeze %dma_wait3A_81 : memref<1x128xi32, #tpu.memory_space<vmem>> -> memref<128xi32, #tpu.memory_space<vmem>>
        %dma_wait3A_83 = arith.constant 0 : i32
        %dma_wait3A_84 = arith.constant 0 : i32
        %dma_wait3A_85 = tpu.memref_slice %arg7[%dma_wait3A_83, %dma_wait3A_84] : memref<10240x128xf32, #tpu.memory_space<vmem_shared>> -> memref<10240x128xf32, #tpu.memory_space<vmem_shared>>
        tpu.wait_indirect_dma semaphore(%run_scoped3A_73 : memref<!tpu.dma_semaphore, #tpu.memory_space<semaphore_mem>>) src(%arg11 : memref<128x128xf32, #tpu.memory_space<vmem>>) dst(%dma_wait3A_85 : memref<10240x128xf32, #tpu.memory_space<vmem_shared>>)
        tpu.yield
      }) : () -> ()
      %add3A_38 = arith.constant 2 : i32
      %add3A_39 = arith.addi %mul3A_26, %add3A_38 : i32
      %mul3A_40 = arith.constant 128 : i32
      %mul3A_41 = arith.muli %add3A_39, %mul3A_40 : i32
      %dma_wait3A_42 = tpu.memref_slice %arg3[%add3A, %mul3A_41] : memref<32x10240xi32, #tpu.memory_space<hbm>> -> memref<1x128xi32, #tpu.memory_space<hbm>>
      %dma_wait3A_43 = tpu.memref_squeeze %dma_wait3A_42 : memref<1x128xi32, #tpu.memory_space<hbm>> -> memref<128xi32, #tpu.memory_space<hbm>>
      %dma_wait3A_44 = tpu.memref_slice %arg3[%add3A, %mul3A_41] : memref<32x10240xi32, #tpu.memory_space<hbm>> -> memref<1x128xi32, #tpu.memory_space<hbm>>
      %dma_wait3A_45 = tpu.memref_squeeze %dma_wait3A_44 : memref<1x128xi32, #tpu.memory_space<hbm>> -> memref<128xi32, #tpu.memory_space<hbm>>
      tpu.wait_dma2 semaphore(%arg15 : memref<!tpu.dma_semaphore, #tpu.memory_space<semaphore_mem>>) src(%dma_wait3A_45 : memref<128xi32, #tpu.memory_space<hbm>>) dst(%arg9 : memref<128xi32, #tpu.memory_space<vmem>>)
      %dma_start3A_46 = arith.constant 0 : i32
      %dma_start3A_47 = arith.constant 0 : i32
      %dma_start3A_48 = tpu.memref_slice %arg2[%dma_start3A_46, %dma_start3A_47] : memref<10000x128xf32, #tpu.memory_space<hbm>> -> memref<10000x128xf32, #tpu.memory_space<hbm>>
      tpu.enqueue_indirect_dma source(%dma_start3A_48 : memref<10000x128xf32, #tpu.memory_space<hbm>>) target(%arg11 : memref<128x128xf32, #tpu.memory_space<vmem>>) offsets(%arg9 : memref<128xi32, #tpu.memory_space<vmem>>) semaphore(%arg13 : memref<!tpu.dma_semaphore, #tpu.memory_space<semaphore_mem>>)
      %dma_wait3A_49 = arith.constant 0 : i32
      %dma_wait3A_50 = arith.constant 0 : i32
      %dma_wait3A_51 = tpu.memref_slice %arg2[%dma_wait3A_49, %dma_wait3A_50] : memref<10000x128xf32, #tpu.memory_space<hbm>> -> memref<10000x128xf32, #tpu.memory_space<hbm>>
      tpu.wait_indirect_dma semaphore(%arg14 : memref<!tpu.dma_semaphore, #tpu.memory_space<semaphore_mem>>) src(%dma_wait3A_51 : memref<10000x128xf32, #tpu.memory_space<hbm>>) dst(%arg12 : memref<128x128xf32, #tpu.memory_space<vmem>>)
      %add3A_52 = arith.constant 3 : i32
      %add3A_53 = arith.addi %mul3A_26, %add3A_52 : i32
      %mul3A_54 = arith.constant 128 : i32
      %mul3A_55 = arith.muli %add3A_53, %mul3A_54 : i32
      %dma_start3A_56 = tpu.memref_slice %arg3[%add3A, %mul3A_55] : memref<32x10240xi32, #tpu.memory_space<hbm>> -> memref<1x128xi32, #tpu.memory_space<hbm>>
      %dma_start3A_57 = tpu.memref_squeeze %dma_start3A_56 : memref<1x128xi32, #tpu.memory_space<hbm>> -> memref<128xi32, #tpu.memory_space<hbm>>
      %dma_start3A_58 = tpu.memref_slice %arg3[%add3A, %mul3A_55] : memref<32x10240xi32, #tpu.memory_space<hbm>> -> memref<1x128xi32, #tpu.memory_space<hbm>>
      %dma_start3A_59 = tpu.memref_squeeze %dma_start3A_58 : memref<1x128xi32, #tpu.memory_space<hbm>> -> memref<128xi32, #tpu.memory_space<hbm>>
      tpu.enqueue_dma source(%dma_start3A_59 : memref<128xi32, #tpu.memory_space<hbm>>) target(%arg10 : memref<128xi32, #tpu.memory_space<vmem>>) target_semaphore(%arg16 : memref<!tpu.dma_semaphore, #tpu.memory_space<semaphore_mem>>)
      %add3A_60 = arith.constant 1 : i32
      %add3A_61 = arith.addi %mul3A_26, %add3A_60 : i32
      "tpu.region"() ({
        %run_scoped3A_73 = tpu.sem_alloc : memref<!tpu.dma_semaphore, #tpu.memory_space<semaphore_mem>>
        %dma_start3A_74 = arith.constant 0 : i32
        %dma_start3A_75 = tpu.memref_slice %arg8[%add3A_61, %dma_start3A_74] : memref<80x128xi32, #tpu.memory_space<vmem>> -> memref<1x128xi32, #tpu.memory_space<vmem>>
        %dma_start3A_76 = tpu.memref_squeeze %dma_start3A_75 : memref<1x128xi32, #tpu.memory_space<vmem>> -> memref<128xi32, #tpu.memory_space<vmem>>
        %dma_start3A_77 = arith.constant 0 : i32
        %dma_start3A_78 = arith.constant 0 : i32
        %dma_start3A_79 = tpu.memref_slice %arg7[%dma_start3A_77, %dma_start3A_78] : memref<10240x128xf32, #tpu.memory_space<vmem_shared>> -> memref<10240x128xf32, #tpu.memory_space<vmem_shared>>
        tpu.enqueue_indirect_dma source(%arg12 : memref<128x128xf32, #tpu.memory_space<vmem>>) target(%dma_start3A_79 : memref<10240x128xf32, #tpu.memory_space<vmem_shared>>) offsets(%dma_start3A_76 : memref<128xi32, #tpu.memory_space<vmem>>) semaphore(%run_scoped3A_73 : memref<!tpu.dma_semaphore, #tpu.memory_space<semaphore_mem>>) {add = true}
        %dma_wait3A_80 = arith.constant 0 : i32
        %dma_wait3A_81 = tpu.memref_slice %arg8[%add3A_61, %dma_wait3A_80] : memref<80x128xi32, #tpu.memory_space<vmem>> -> memref<1x128xi32, #tpu.memory_space<vmem>>
        %dma_wait3A_82 = tpu.memref_squeeze %dma_wait3A_81 : memref<1x128xi32, #tpu.memory_space<vmem>> -> memref<128xi32, #tpu.memory_space<vmem>>
        %dma_wait3A_83 = arith.constant 0 : i32
        %dma_wait3A_84 = arith.constant 0 : i32
        %dma_wait3A_85 = tpu.memref_slice %arg7[%dma_wait3A_83, %dma_wait3A_84] : memref<10240x128xf32, #tpu.memory_space<vmem_shared>> -> memref<10240x128xf32, #tpu.memory_space<vmem_shared>>
        tpu.wait_indirect_dma semaphore(%run_scoped3A_73 : memref<!tpu.dma_semaphore, #tpu.memory_space<semaphore_mem>>) src(%arg12 : memref<128x128xf32, #tpu.memory_space<vmem>>) dst(%dma_wait3A_85 : memref<10240x128xf32, #tpu.memory_space<vmem_shared>>)
        tpu.yield
      }) : () -> ()
      %add3A_62 = arith.constant 3 : i32
      %add3A_63 = arith.addi %mul3A_26, %add3A_62 : i32
      %mul3A_64 = arith.constant 128 : i32
      %mul3A_65 = arith.muli %add3A_63, %mul3A_64 : i32
      %dma_wait3A_66 = tpu.memref_slice %arg3[%add3A, %mul3A_65] : memref<32x10240xi32, #tpu.memory_space<hbm>> -> memref<1x128xi32, #tpu.memory_space<hbm>>
      %dma_wait3A_67 = tpu.memref_squeeze %dma_wait3A_66 : memref<1x128xi32, #tpu.memory_space<hbm>> -> memref<128xi32, #tpu.memory_space<hbm>>
      %dma_wait3A_68 = tpu.memref_slice %arg3[%add3A, %mul3A_65] : memref<32x10240xi32, #tpu.memory_space<hbm>> -> memref<1x128xi32, #tpu.memory_space<hbm>>
      %dma_wait3A_69 = tpu.memref_squeeze %dma_wait3A_68 : memref<1x128xi32, #tpu.memory_space<hbm>> -> memref<128xi32, #tpu.memory_space<hbm>>
      tpu.wait_dma2 semaphore(%arg16 : memref<!tpu.dma_semaphore, #tpu.memory_space<semaphore_mem>>) src(%dma_wait3A_69 : memref<128xi32, #tpu.memory_space<hbm>>) dst(%arg10 : memref<128xi32, #tpu.memory_space<vmem>>)
      %dma_start3A_70 = arith.constant 0 : i32
      %dma_start3A_71 = arith.constant 0 : i32
      %dma_start3A_72 = tpu.memref_slice %arg2[%dma_start3A_70, %dma_start3A_71] : memref<10000x128xf32, #tpu.memory_space<hbm>> -> memref<10000x128xf32, #tpu.memory_space<hbm>>
      tpu.enqueue_indirect_dma source(%dma_start3A_72 : memref<10000x128xf32, #tpu.memory_space<hbm>>) target(%arg12 : memref<128x128xf32, #tpu.memory_space<vmem>>) offsets(%arg10 : memref<128xi32, #tpu.memory_space<vmem>>) semaphore(%arg14 : memref<!tpu.dma_semaphore, #tpu.memory_space<semaphore_mem>>)
    }
    %scan3A_12 = arith.constant 39 : i32
    %dma_wait3A = arith.constant 0 : i32
    %dma_wait3A_13 = arith.constant 0 : i32
    %dma_wait3A_14 = tpu.memref_slice %arg2[%dma_wait3A, %dma_wait3A_13] : memref<10000x128xf32, #tpu.memory_space<hbm>> -> memref<10000x128xf32, #tpu.memory_space<hbm>>
    tpu.wait_indirect_dma semaphore(%arg13 : memref<!tpu.dma_semaphore, #tpu.memory_space<semaphore_mem>>) src(%dma_wait3A_14 : memref<10000x128xf32, #tpu.memory_space<hbm>>) dst(%arg11 : memref<128x128xf32, #tpu.memory_space<vmem>>)
    %run_scoped3A = arith.constant 78 : i32
    "tpu.region"() ({
      %run_scoped3A_24 = tpu.sem_alloc : memref<!tpu.dma_semaphore, #tpu.memory_space<semaphore_mem>>
      %dma_start3A_25 = arith.constant 0 : i32
      %dma_start3A_26 = tpu.memref_slice %arg8[%run_scoped3A, %dma_start3A_25] : memref<80x128xi32, #tpu.memory_space<vmem>> -> memref<1x128xi32, #tpu.memory_space<vmem>>
      %dma_start3A_27 = tpu.memref_squeeze %dma_start3A_26 : memref<1x128xi32, #tpu.memory_space<vmem>> -> memref<128xi32, #tpu.memory_space<vmem>>
      %dma_start3A_28 = arith.constant 0 : i32
      %dma_start3A_29 = arith.constant 0 : i32
      %dma_start3A_30 = tpu.memref_slice %arg7[%dma_start3A_28, %dma_start3A_29] : memref<10240x128xf32, #tpu.memory_space<vmem_shared>> -> memref<10240x128xf32, #tpu.memory_space<vmem_shared>>
      tpu.enqueue_indirect_dma source(%arg11 : memref<128x128xf32, #tpu.memory_space<vmem>>) target(%dma_start3A_30 : memref<10240x128xf32, #tpu.memory_space<vmem_shared>>) offsets(%dma_start3A_27 : memref<128xi32, #tpu.memory_space<vmem>>) semaphore(%run_scoped3A_24 : memref<!tpu.dma_semaphore, #tpu.memory_space<semaphore_mem>>) {add = true}
      %dma_wait3A_31 = arith.constant 0 : i32
      %dma_wait3A_32 = tpu.memref_slice %arg8[%run_scoped3A, %dma_wait3A_31] : memref<80x128xi32, #tpu.memory_space<vmem>> -> memref<1x128xi32, #tpu.memory_space<vmem>>
      %dma_wait3A_33 = tpu.memref_squeeze %dma_wait3A_32 : memref<1x128xi32, #tpu.memory_space<vmem>> -> memref<128xi32, #tpu.memory_space<vmem>>
      %dma_wait3A_34 = arith.constant 0 : i32
      %dma_wait3A_35 = arith.constant 0 : i32
      %dma_wait3A_36 = tpu.memref_slice %arg7[%dma_wait3A_34, %dma_wait3A_35] : memref<10240x128xf32, #tpu.memory_space<vmem_shared>> -> memref<10240x128xf32, #tpu.memory_space<vmem_shared>>
      tpu.wait_indirect_dma semaphore(%run_scoped3A_24 : memref<!tpu.dma_semaphore, #tpu.memory_space<semaphore_mem>>) src(%arg11 : memref<128x128xf32, #tpu.memory_space<vmem>>) dst(%dma_wait3A_36 : memref<10240x128xf32, #tpu.memory_space<vmem_shared>>)
      tpu.yield
    }) : () -> ()
    %dma_wait3A_15 = arith.constant 0 : i32
    %dma_wait3A_16 = arith.constant 0 : i32
    %dma_wait3A_17 = tpu.memref_slice %arg2[%dma_wait3A_15, %dma_wait3A_16] : memref<10000x128xf32, #tpu.memory_space<hbm>> -> memref<10000x128xf32, #tpu.memory_space<hbm>>
    tpu.wait_indirect_dma semaphore(%arg14 : memref<!tpu.dma_semaphore, #tpu.memory_space<semaphore_mem>>) src(%dma_wait3A_17 : memref<10000x128xf32, #tpu.memory_space<hbm>>) dst(%arg12 : memref<128x128xf32, #tpu.memory_space<vmem>>)
    %run_scoped3A_18 = arith.constant 79 : i32
    "tpu.region"() ({
      %run_scoped3A_24 = tpu.sem_alloc : memref<!tpu.dma_semaphore, #tpu.memory_space<semaphore_mem>>
      %dma_start3A_25 = arith.constant 0 : i32
      %dma_start3A_26 = tpu.memref_slice %arg8[%run_scoped3A_18, %dma_start3A_25] : memref<80x128xi32, #tpu.memory_space<vmem>> -> memref<1x128xi32, #tpu.memory_space<vmem>>
      %dma_start3A_27 = tpu.memref_squeeze %dma_start3A_26 : memref<1x128xi32, #tpu.memory_space<vmem>> -> memref<128xi32, #tpu.memory_space<vmem>>
      %dma_start3A_28 = arith.constant 0 : i32
      %dma_start3A_29 = arith.constant 0 : i32
      %dma_start3A_30 = tpu.memref_slice %arg7[%dma_start3A_28, %dma_start3A_29] : memref<10240x128xf32, #tpu.memory_space<vmem_shared>> -> memref<10240x128xf32, #tpu.memory_space<vmem_shared>>
      tpu.enqueue_indirect_dma source(%arg12 : memref<128x128xf32, #tpu.memory_space<vmem>>) target(%dma_start3A_30 : memref<10240x128xf32, #tpu.memory_space<vmem_shared>>) offsets(%dma_start3A_27 : memref<128xi32, #tpu.memory_space<vmem>>) semaphore(%run_scoped3A_24 : memref<!tpu.dma_semaphore, #tpu.memory_space<semaphore_mem>>) {add = true}
      %dma_wait3A_31 = arith.constant 0 : i32
      %dma_wait3A_32 = tpu.memref_slice %arg8[%run_scoped3A_18, %dma_wait3A_31] : memref<80x128xi32, #tpu.memory_space<vmem>> -> memref<1x128xi32, #tpu.memory_space<vmem>>
      %dma_wait3A_33 = tpu.memref_squeeze %dma_wait3A_32 : memref<1x128xi32, #tpu.memory_space<vmem>> -> memref<128xi32, #tpu.memory_space<vmem>>
      %dma_wait3A_34 = arith.constant 0 : i32
      %dma_wait3A_35 = arith.constant 0 : i32
      %dma_wait3A_36 = tpu.memref_slice %arg7[%dma_wait3A_34, %dma_wait3A_35] : memref<10240x128xf32, #tpu.memory_space<vmem_shared>> -> memref<10240x128xf32, #tpu.memory_space<vmem_shared>>
      tpu.wait_indirect_dma semaphore(%run_scoped3A_24 : memref<!tpu.dma_semaphore, #tpu.memory_space<semaphore_mem>>) src(%arg12 : memref<128x128xf32, #tpu.memory_space<vmem>>) dst(%dma_wait3A_36 : memref<10240x128xf32, #tpu.memory_space<vmem_shared>>)
      tpu.yield
    }) : () -> ()
    %barrier3A_19 = arith.constant 0 : index
    tpu.barrier barrier_id(%barrier3A_19)
    %mul3A_20 = arith.constant 640 : i32
    %mul3A_21 = arith.muli %arg1, %mul3A_20 : i32
    %mul3A_22 = arith.constant 640 : i32
    %mul3A_23 = arith.muli %arg1, %mul3A_22 : i32
    "tpu.region"() ({
      %run_scoped3A_24 = tpu.sem_alloc : memref<!tpu.dma_semaphore, #tpu.memory_space<semaphore_mem>>
      %dma_start3A_25 = arith.constant 0 : i32
      %dma_start3A_26 = tpu.memref_slice %arg6[%arg0, %mul3A_23, %dma_start3A_25] : memref<2x10240x128xf32, #tpu.memory_space<hbm>> -> memref<1x640x128xf32, #tpu.memory_space<hbm>>
      %dma_start3A_27 = tpu.memref_squeeze %dma_start3A_26 : memref<1x640x128xf32, #tpu.memory_space<hbm>> -> memref<640x128xf32, #tpu.memory_space<hbm>>
      %dma_start3A_28 = arith.constant 0 : i32
      %dma_start3A_29 = tpu.memref_slice %arg7[%mul3A_21, %dma_start3A_28] : memref<10240x128xf32, #tpu.memory_space<vmem_shared>> -> memref<640x128xf32, #tpu.memory_space<vmem_shared>>
      tpu.enqueue_dma source(%dma_start3A_29 : memref<640x128xf32, #tpu.memory_space<vmem_shared>>) target(%dma_start3A_27 : memref<640x128xf32, #tpu.memory_space<hbm>>) target_semaphore(%run_scoped3A_24 : memref<!tpu.dma_semaphore, #tpu.memory_space<semaphore_mem>>)
      %dma_wait3A_30 = arith.constant 0 : i32
      %dma_wait3A_31 = tpu.memref_slice %arg6[%arg0, %mul3A_23, %dma_wait3A_30] : memref<2x10240x128xf32, #tpu.memory_space<hbm>> -> memref<1x640x128xf32, #tpu.memory_space<hbm>>
      %dma_wait3A_32 = tpu.memref_squeeze %dma_wait3A_31 : memref<1x640x128xf32, #tpu.memory_space<hbm>> -> memref<640x128xf32, #tpu.memory_space<hbm>>
      %dma_wait3A_33 = arith.constant 0 : i32
      %dma_wait3A_34 = tpu.memref_slice %arg7[%mul3A_21, %dma_wait3A_33] : memref<10240x128xf32, #tpu.memory_space<vmem_shared>> -> memref<640x128xf32, #tpu.memory_space<vmem_shared>>
      tpu.wait_dma2 semaphore(%run_scoped3A_24 : memref<!tpu.dma_semaphore, #tpu.memory_space<semaphore_mem>>) src(%dma_wait3A_34 : memref<640x128xf32, #tpu.memory_space<vmem_shared>>) dst(%dma_wait3A_32 : memref<640x128xf32, #tpu.memory_space<hbm>>)
      tpu.yield
    }) : () -> ()
    return
  }
}

#map = affine_map<(d0, d1) -> (0, 0)>
#map1 = affine_map<(d0, d1) -> (0, 0, 0)>
#map2 = affine_map<(d0, d1) -> (0)>
module attributes {stable_mosaic.version = 14 : i64} {
  func.func @_sc_segsum_body(%arg0: i32, %arg1: i32, %arg2: memref<10000x128xf32, #tpu.memory_space<hbm>>, %arg3: memref<32x10240xi32, #tpu.memory_space<hbm>>, %arg4: memref<32x80x128xi32, #tpu.memory_space<hbm>>, %arg5: memref<640x128xf32, #tpu.memory_space<hbm>>, %arg6: memref<640xf32, #tpu.memory_space<hbm>>, %arg7: memref<128xf32, #tpu.memory_space<hbm>>, %arg8: memref<2x10240x128xf32, #tpu.memory_space<hbm>>, %arg9: memref<2x10240xf32, #tpu.memory_space<hbm>>, %arg10: memref<10240x128xf32, #tpu.memory_space<vmem_shared>>, %arg11: memref<80x128xi32, #tpu.memory_space<vmem>>, %arg12: memref<128xi32, #tpu.memory_space<vmem>>, %arg13: memref<128xi32, #tpu.memory_space<vmem>>, %arg14: memref<128x128xf32, #tpu.memory_space<vmem>>, %arg15: memref<128x128xf32, #tpu.memory_space<vmem>>, %arg16: memref<!tpu.dma_semaphore, #tpu.memory_space<semaphore_mem>>, %arg17: memref<!tpu.dma_semaphore, #tpu.memory_space<semaphore_mem>>, %arg18: memref<!tpu.dma_semaphore, #tpu.memory_space<semaphore_mem>>, %arg19: memref<!tpu.dma_semaphore, #tpu.memory_space<semaphore_mem>>, %arg20: memref<10240xf32, #tpu.memory_space<vmem_shared>>, %arg21: memref<128xf32, #tpu.memory_space<vmem>>, %arg22: memref<!tpu.dma_semaphore, #tpu.memory_space<semaphore_mem>>) attributes {dimension_semantics = [#tpu.dimension_semantics<core_parallel>, #tpu.dimension_semantics<subcore_parallel>], iteration_bounds = array<i64: 2, 16>, scalar_prefetch = 0 : i64, scratch_operands = 13 : i64, tpu.core_type = #tpu.core_type<sc_vector_subcore>, window_params = [{transform_indices = #map}, {transform_indices = #map}, {transform_indices = #map1}, {transform_indices = #map}, {transform_indices = #map2}, {transform_indices = #map2}, {transform_indices = #map1}, {transform_indices = #map}]} {
    %mul3A = arith.constant 16 : i32
    %mul3A_0 = arith.muli %arg0, %mul3A : i32
    %add3A = arith.addi %mul3A_0, %arg1 : i32
    %mul3A_1 = arith.constant 640 : i32
    %mul3A_2 = arith.muli %arg1, %mul3A_1 : i32
    "tpu.region"() ({
      %run_scoped3A_48 = tpu.sem_alloc : memref<!tpu.dma_semaphore, #tpu.memory_space<semaphore_mem>>
      %dma_start3A_49 = arith.constant 0 : i32
      %dma_start3A_50 = tpu.memref_slice %arg10[%mul3A_2, %dma_start3A_49] : memref<10240x128xf32, #tpu.memory_space<vmem_shared>> -> memref<640x128xf32, #tpu.memory_space<vmem_shared>>
      tpu.enqueue_dma source(%arg5 : memref<640x128xf32, #tpu.memory_space<hbm>>) target(%dma_start3A_50 : memref<640x128xf32, #tpu.memory_space<vmem_shared>>) target_semaphore(%run_scoped3A_48 : memref<!tpu.dma_semaphore, #tpu.memory_space<semaphore_mem>>)
      %dma_wait3A_51 = arith.constant 0 : i32
      %dma_wait3A_52 = tpu.memref_slice %arg10[%mul3A_2, %dma_wait3A_51] : memref<10240x128xf32, #tpu.memory_space<vmem_shared>> -> memref<640x128xf32, #tpu.memory_space<vmem_shared>>
      tpu.wait_dma2 semaphore(%run_scoped3A_48 : memref<!tpu.dma_semaphore, #tpu.memory_space<semaphore_mem>>) src(%arg5 : memref<640x128xf32, #tpu.memory_space<hbm>>) dst(%dma_wait3A_52 : memref<640x128xf32, #tpu.memory_space<vmem_shared>>)
      tpu.yield
    }) : () -> ()
    %mul3A_3 = arith.constant 640 : i32
    %mul3A_4 = arith.muli %arg1, %mul3A_3 : i32
    "tpu.region"() ({
      %run_scoped3A_48 = tpu.sem_alloc : memref<!tpu.dma_semaphore, #tpu.memory_space<semaphore_mem>>
      %dma_start3A_49 = tpu.memref_slice %arg20[%mul3A_4] : memref<10240xf32, #tpu.memory_space<vmem_shared>> -> memref<640xf32, #tpu.memory_space<vmem_shared>>
      tpu.enqueue_dma source(%arg6 : memref<640xf32, #tpu.memory_space<hbm>>) target(%dma_start3A_49 : memref<640xf32, #tpu.memory_space<vmem_shared>>) target_semaphore(%run_scoped3A_48 : memref<!tpu.dma_semaphore, #tpu.memory_space<semaphore_mem>>)
      %dma_wait3A_50 = tpu.memref_slice %arg20[%mul3A_4] : memref<10240xf32, #tpu.memory_space<vmem_shared>> -> memref<640xf32, #tpu.memory_space<vmem_shared>>
      tpu.wait_dma2 semaphore(%run_scoped3A_48 : memref<!tpu.dma_semaphore, #tpu.memory_space<semaphore_mem>>) src(%arg6 : memref<640xf32, #tpu.memory_space<hbm>>) dst(%dma_wait3A_50 : memref<640xf32, #tpu.memory_space<vmem_shared>>)
      tpu.yield
    }) : () -> ()
    "tpu.region"() ({
      %run_scoped3A_48 = tpu.sem_alloc : memref<!tpu.dma_semaphore, #tpu.memory_space<semaphore_mem>>
      tpu.enqueue_dma source(%arg7 : memref<128xf32, #tpu.memory_space<hbm>>) target(%arg21 : memref<128xf32, #tpu.memory_space<vmem>>) target_semaphore(%run_scoped3A_48 : memref<!tpu.dma_semaphore, #tpu.memory_space<semaphore_mem>>)
      tpu.wait_dma2 semaphore(%run_scoped3A_48 : memref<!tpu.dma_semaphore, #tpu.memory_space<semaphore_mem>>) src(%arg7 : memref<128xf32, #tpu.memory_space<hbm>>) dst(%arg21 : memref<128xf32, #tpu.memory_space<vmem>>)
      tpu.yield
    }) : () -> ()
    "tpu.region"() ({
      %run_scoped3A_48 = tpu.sem_alloc : memref<!tpu.dma_semaphore, #tpu.memory_space<semaphore_mem>>
      %dma_start3A_49 = arith.constant 0 : i32
      %dma_start3A_50 = arith.constant 0 : i32
      %dma_start3A_51 = tpu.memref_slice %arg4[%add3A, %dma_start3A_49, %dma_start3A_50] : memref<32x80x128xi32, #tpu.memory_space<hbm>> -> memref<1x80x128xi32, #tpu.memory_space<hbm>>
      %dma_start3A_52 = tpu.memref_squeeze %dma_start3A_51 : memref<1x80x128xi32, #tpu.memory_space<hbm>> -> memref<80x128xi32, #tpu.memory_space<hbm>>
      %dma_start3A_53 = arith.constant 0 : i32
      %dma_start3A_54 = arith.constant 0 : i32
      %dma_start3A_55 = tpu.memref_slice %arg4[%add3A, %dma_start3A_53, %dma_start3A_54] : memref<32x80x128xi32, #tpu.memory_space<hbm>> -> memref<1x80x128xi32, #tpu.memory_space<hbm>>
      %dma_start3A_56 = tpu.memref_squeeze %dma_start3A_55 : memref<1x80x128xi32, #tpu.memory_space<hbm>> -> memref<80x128xi32, #tpu.memory_space<hbm>>
      tpu.enqueue_dma source(%dma_start3A_56 : memref<80x128xi32, #tpu.memory_space<hbm>>) target(%arg11 : memref<80x128xi32, #tpu.memory_space<vmem>>) target_semaphore(%run_scoped3A_48 : memref<!tpu.dma_semaphore, #tpu.memory_space<semaphore_mem>>)
      %dma_wait3A_57 = arith.constant 0 : i32
      %dma_wait3A_58 = arith.constant 0 : i32
      %dma_wait3A_59 = tpu.memref_slice %arg4[%add3A, %dma_wait3A_57, %dma_wait3A_58] : memref<32x80x128xi32, #tpu.memory_space<hbm>> -> memref<1x80x128xi32, #tpu.memory_space<hbm>>
      %dma_wait3A_60 = tpu.memref_squeeze %dma_wait3A_59 : memref<1x80x128xi32, #tpu.memory_space<hbm>> -> memref<80x128xi32, #tpu.memory_space<hbm>>
      %dma_wait3A_61 = arith.constant 0 : i32
      %dma_wait3A_62 = arith.constant 0 : i32
      %dma_wait3A_63 = tpu.memref_slice %arg4[%add3A, %dma_wait3A_61, %dma_wait3A_62] : memref<32x80x128xi32, #tpu.memory_space<hbm>> -> memref<1x80x128xi32, #tpu.memory_space<hbm>>
      %dma_wait3A_64 = tpu.memref_squeeze %dma_wait3A_63 : memref<1x80x128xi32, #tpu.memory_space<hbm>> -> memref<80x128xi32, #tpu.memory_space<hbm>>
      tpu.wait_dma2 semaphore(%run_scoped3A_48 : memref<!tpu.dma_semaphore, #tpu.memory_space<semaphore_mem>>) src(%dma_wait3A_64 : memref<80x128xi32, #tpu.memory_space<hbm>>) dst(%arg11 : memref<80x128xi32, #tpu.memory_space<vmem>>)
      tpu.yield
    }) : () -> ()
    %barrier3A = arith.constant 0 : index
    tpu.barrier barrier_id(%barrier3A)
    "tpu.region"() ({
      %run_scoped3A_48 = tpu.sem_alloc : memref<!tpu.dma_semaphore, #tpu.memory_space<semaphore_mem>>
      %dma_start3A_49 = arith.constant 0 : i32
      %dma_start3A_50 = tpu.memref_slice %arg3[%add3A, %dma_start3A_49] : memref<32x10240xi32, #tpu.memory_space<hbm>> -> memref<1x128xi32, #tpu.memory_space<hbm>>
      %dma_start3A_51 = tpu.memref_squeeze %dma_start3A_50 : memref<1x128xi32, #tpu.memory_space<hbm>> -> memref<128xi32, #tpu.memory_space<hbm>>
      %dma_start3A_52 = arith.constant 0 : i32
      %dma_start3A_53 = tpu.memref_slice %arg3[%add3A, %dma_start3A_52] : memref<32x10240xi32, #tpu.memory_space<hbm>> -> memref<1x128xi32, #tpu.memory_space<hbm>>
      %dma_start3A_54 = tpu.memref_squeeze %dma_start3A_53 : memref<1x128xi32, #tpu.memory_space<hbm>> -> memref<128xi32, #tpu.memory_space<hbm>>
      tpu.enqueue_dma source(%dma_start3A_54 : memref<128xi32, #tpu.memory_space<hbm>>) target(%arg12 : memref<128xi32, #tpu.memory_space<vmem>>) target_semaphore(%run_scoped3A_48 : memref<!tpu.dma_semaphore, #tpu.memory_space<semaphore_mem>>)
      %dma_wait3A_55 = arith.constant 0 : i32
      %dma_wait3A_56 = tpu.memref_slice %arg3[%add3A, %dma_wait3A_55] : memref<32x10240xi32, #tpu.memory_space<hbm>> -> memref<1x128xi32, #tpu.memory_space<hbm>>
      %dma_wait3A_57 = tpu.memref_squeeze %dma_wait3A_56 : memref<1x128xi32, #tpu.memory_space<hbm>> -> memref<128xi32, #tpu.memory_space<hbm>>
      %dma_wait3A_58 = arith.constant 0 : i32
      %dma_wait3A_59 = tpu.memref_slice %arg3[%add3A, %dma_wait3A_58] : memref<32x10240xi32, #tpu.memory_space<hbm>> -> memref<1x128xi32, #tpu.memory_space<hbm>>
      %dma_wait3A_60 = tpu.memref_squeeze %dma_wait3A_59 : memref<1x128xi32, #tpu.memory_space<hbm>> -> memref<128xi32, #tpu.memory_space<hbm>>
      tpu.wait_dma2 semaphore(%run_scoped3A_48 : memref<!tpu.dma_semaphore, #tpu.memory_space<semaphore_mem>>) src(%dma_wait3A_60 : memref<128xi32, #tpu.memory_space<hbm>>) dst(%arg12 : memref<128xi32, #tpu.memory_space<vmem>>)
      tpu.yield
    }) : () -> ()
    "tpu.region"() ({
      %run_scoped3A_48 = tpu.sem_alloc : memref<!tpu.dma_semaphore, #tpu.memory_space<semaphore_mem>>
      %dma_start3A_49 = arith.constant 128 : i32
      %dma_start3A_50 = tpu.memref_slice %arg3[%add3A, %dma_start3A_49] : memref<32x10240xi32, #tpu.memory_space<hbm>> -> memref<1x128xi32, #tpu.memory_space<hbm>>
      %dma_start3A_51 = tpu.memref_squeeze %dma_start3A_50 : memref<1x128xi32, #tpu.memory_space<hbm>> -> memref<128xi32, #tpu.memory_space<hbm>>
      %dma_start3A_52 = arith.constant 128 : i32
      %dma_start3A_53 = tpu.memref_slice %arg3[%add3A, %dma_start3A_52] : memref<32x10240xi32, #tpu.memory_space<hbm>> -> memref<1x128xi32, #tpu.memory_space<hbm>>
      %dma_start3A_54 = tpu.memref_squeeze %dma_start3A_53 : memref<1x128xi32, #tpu.memory_space<hbm>> -> memref<128xi32, #tpu.memory_space<hbm>>
      tpu.enqueue_dma source(%dma_start3A_54 : memref<128xi32, #tpu.memory_space<hbm>>) target(%arg13 : memref<128xi32, #tpu.memory_space<vmem>>) target_semaphore(%run_scoped3A_48 : memref<!tpu.dma_semaphore, #tpu.memory_space<semaphore_mem>>)
      %dma_wait3A_55 = arith.constant 128 : i32
      %dma_wait3A_56 = tpu.memref_slice %arg3[%add3A, %dma_wait3A_55] : memref<32x10240xi32, #tpu.memory_space<hbm>> -> memref<1x128xi32, #tpu.memory_space<hbm>>
      %dma_wait3A_57 = tpu.memref_squeeze %dma_wait3A_56 : memref<1x128xi32, #tpu.memory_space<hbm>> -> memref<128xi32, #tpu.memory_space<hbm>>
      %dma_wait3A_58 = arith.constant 128 : i32
      %dma_wait3A_59 = tpu.memref_slice %arg3[%add3A, %dma_wait3A_58] : memref<32x10240xi32, #tpu.memory_space<hbm>> -> memref<1x128xi32, #tpu.memory_space<hbm>>
      %dma_wait3A_60 = tpu.memref_squeeze %dma_wait3A_59 : memref<1x128xi32, #tpu.memory_space<hbm>> -> memref<128xi32, #tpu.memory_space<hbm>>
      tpu.wait_dma2 semaphore(%run_scoped3A_48 : memref<!tpu.dma_semaphore, #tpu.memory_space<semaphore_mem>>) src(%dma_wait3A_60 : memref<128xi32, #tpu.memory_space<hbm>>) dst(%arg13 : memref<128xi32, #tpu.memory_space<vmem>>)
      tpu.yield
    }) : () -> ()
    %dma_start3A = arith.constant 0 : i32
    %dma_start3A_5 = arith.constant 0 : i32
    %dma_start3A_6 = tpu.memref_slice %arg2[%dma_start3A, %dma_start3A_5] : memref<10000x128xf32, #tpu.memory_space<hbm>> -> memref<10000x128xf32, #tpu.memory_space<hbm>>
    tpu.enqueue_indirect_dma source(%dma_start3A_6 : memref<10000x128xf32, #tpu.memory_space<hbm>>) target(%arg14 : memref<128x128xf32, #tpu.memory_space<vmem>>) offsets(%arg12 : memref<128xi32, #tpu.memory_space<vmem>>) semaphore(%arg16 : memref<!tpu.dma_semaphore, #tpu.memory_space<semaphore_mem>>)
    %dma_start3A_7 = arith.constant 0 : i32
    %dma_start3A_8 = arith.constant 0 : i32
    %dma_start3A_9 = tpu.memref_slice %arg2[%dma_start3A_7, %dma_start3A_8] : memref<10000x128xf32, #tpu.memory_space<hbm>> -> memref<10000x128xf32, #tpu.memory_space<hbm>>
    tpu.enqueue_indirect_dma source(%dma_start3A_9 : memref<10000x128xf32, #tpu.memory_space<hbm>>) target(%arg15 : memref<128x128xf32, #tpu.memory_space<vmem>>) offsets(%arg13 : memref<128xi32, #tpu.memory_space<vmem>>) semaphore(%arg17 : memref<!tpu.dma_semaphore, #tpu.memory_space<semaphore_mem>>)
    %scan3A = arith.constant 0 : i32
    %scan3A_10 = arith.constant 0 : i32
    %scan3A_11 = arith.constant 39 : i32
    %scan3A_12 = arith.addi %scan3A_10, %scan3A_11 : i32
    %scan3A_13 = arith.constant 1 : i32
    scf.for %scan3A_48 = %scan3A_10 to %scan3A_12 step %scan3A_13  : i32 {
      %mul3A_49 = arith.constant 2 : i32
      %mul3A_50 = arith.muli %mul3A_49, %scan3A_48 : i32
      %dma_wait3A_51 = arith.constant 0 : i32
      %dma_wait3A_52 = arith.constant 0 : i32
      %dma_wait3A_53 = tpu.memref_slice %arg2[%dma_wait3A_51, %dma_wait3A_52] : memref<10000x128xf32, #tpu.memory_space<hbm>> -> memref<10000x128xf32, #tpu.memory_space<hbm>>
      tpu.wait_indirect_dma semaphore(%arg16 : memref<!tpu.dma_semaphore, #tpu.memory_space<semaphore_mem>>) src(%dma_wait3A_53 : memref<10000x128xf32, #tpu.memory_space<hbm>>) dst(%arg14 : memref<128x128xf32, #tpu.memory_space<vmem>>)
      %add3A_54 = arith.constant 2 : i32
      %add3A_55 = arith.addi %mul3A_50, %add3A_54 : i32
      %mul3A_56 = arith.constant 128 : i32
      %mul3A_57 = arith.muli %add3A_55, %mul3A_56 : i32
      %dma_start3A_58 = tpu.memref_slice %arg3[%add3A, %mul3A_57] : memref<32x10240xi32, #tpu.memory_space<hbm>> -> memref<1x128xi32, #tpu.memory_space<hbm>>
      %dma_start3A_59 = tpu.memref_squeeze %dma_start3A_58 : memref<1x128xi32, #tpu.memory_space<hbm>> -> memref<128xi32, #tpu.memory_space<hbm>>
      %dma_start3A_60 = tpu.memref_slice %arg3[%add3A, %mul3A_57] : memref<32x10240xi32, #tpu.memory_space<hbm>> -> memref<1x128xi32, #tpu.memory_space<hbm>>
      %dma_start3A_61 = tpu.memref_squeeze %dma_start3A_60 : memref<1x128xi32, #tpu.memory_space<hbm>> -> memref<128xi32, #tpu.memory_space<hbm>>
      tpu.enqueue_dma source(%dma_start3A_61 : memref<128xi32, #tpu.memory_space<hbm>>) target(%arg12 : memref<128xi32, #tpu.memory_space<vmem>>) target_semaphore(%arg18 : memref<!tpu.dma_semaphore, #tpu.memory_space<semaphore_mem>>)
      "tpu.region"() ({
        %run_scoped3A_107 = tpu.sem_alloc : memref<!tpu.dma_semaphore, #tpu.memory_space<semaphore_mem>>
        %dma_start3A_108 = arith.constant 0 : i32
        %dma_start3A_109 = tpu.memref_slice %arg11[%mul3A_50, %dma_start3A_108] : memref<80x128xi32, #tpu.memory_space<vmem>> -> memref<1x128xi32, #tpu.memory_space<vmem>>
        %dma_start3A_110 = tpu.memref_squeeze %dma_start3A_109 : memref<1x128xi32, #tpu.memory_space<vmem>> -> memref<128xi32, #tpu.memory_space<vmem>>
        %dma_start3A_111 = arith.constant 0 : i32
        %dma_start3A_112 = arith.constant 0 : i32
        %dma_start3A_113 = tpu.memref_slice %arg10[%dma_start3A_111, %dma_start3A_112] : memref<10240x128xf32, #tpu.memory_space<vmem_shared>> -> memref<10240x128xf32, #tpu.memory_space<vmem_shared>>
        tpu.enqueue_indirect_dma source(%arg14 : memref<128x128xf32, #tpu.memory_space<vmem>>) target(%dma_start3A_113 : memref<10240x128xf32, #tpu.memory_space<vmem_shared>>) offsets(%dma_start3A_110 : memref<128xi32, #tpu.memory_space<vmem>>) semaphore(%run_scoped3A_107 : memref<!tpu.dma_semaphore, #tpu.memory_space<semaphore_mem>>) {add = true}
        %dma_wait3A_114 = arith.constant 0 : i32
        %dma_wait3A_115 = tpu.memref_slice %arg11[%mul3A_50, %dma_wait3A_114] : memref<80x128xi32, #tpu.memory_space<vmem>> -> memref<1x128xi32, #tpu.memory_space<vmem>>
        %dma_wait3A_116 = tpu.memref_squeeze %dma_wait3A_115 : memref<1x128xi32, #tpu.memory_space<vmem>> -> memref<128xi32, #tpu.memory_space<vmem>>
        %dma_wait3A_117 = arith.constant 0 : i32
        %dma_wait3A_118 = arith.constant 0 : i32
        %dma_wait3A_119 = tpu.memref_slice %arg10[%dma_wait3A_117, %dma_wait3A_118] : memref<10240x128xf32, #tpu.memory_space<vmem_shared>> -> memref<10240x128xf32, #tpu.memory_space<vmem_shared>>
        tpu.wait_indirect_dma semaphore(%run_scoped3A_107 : memref<!tpu.dma_semaphore, #tpu.memory_space<semaphore_mem>>) src(%arg14 : memref<128x128xf32, #tpu.memory_space<vmem>>) dst(%dma_wait3A_119 : memref<10240x128xf32, #tpu.memory_space<vmem_shared>>)
        tpu.yield
      }) : () -> ()
      %dma_start3A_62 = arith.constant 0 : i32
      %dma_start3A_63 = tpu.memref_slice %arg11[%mul3A_50, %dma_start3A_62] : memref<80x128xi32, #tpu.memory_space<vmem>> -> memref<1x128xi32, #tpu.memory_space<vmem>>
      %dma_start3A_64 = tpu.memref_squeeze %dma_start3A_63 : memref<1x128xi32, #tpu.memory_space<vmem>> -> memref<128xi32, #tpu.memory_space<vmem>>
      %dma_start3A_65 = arith.constant 0 : i32
      %dma_start3A_66 = tpu.memref_slice %arg20[%dma_start3A_65] : memref<10240xf32, #tpu.memory_space<vmem_shared>> -> memref<10240xf32, #tpu.memory_space<vmem_shared>>
      tpu.enqueue_indirect_dma source(%arg21 : memref<128xf32, #tpu.memory_space<vmem>>) target(%dma_start3A_66 : memref<10240xf32, #tpu.memory_space<vmem_shared>>) offsets(%dma_start3A_64 : memref<128xi32, #tpu.memory_space<vmem>>) semaphore(%arg22 : memref<!tpu.dma_semaphore, #tpu.memory_space<semaphore_mem>>) {add = true}
      %add3A_67 = arith.constant 2 : i32
      %add3A_68 = arith.addi %mul3A_50, %add3A_67 : i32
      %mul3A_69 = arith.constant 128 : i32
      %mul3A_70 = arith.muli %add3A_68, %mul3A_69 : i32
      %dma_wait3A_71 = tpu.memref_slice %arg3[%add3A, %mul3A_70] : memref<32x10240xi32, #tpu.memory_space<hbm>> -> memref<1x128xi32, #tpu.memory_space<hbm>>
      %dma_wait3A_72 = tpu.memref_squeeze %dma_wait3A_71 : memref<1x128xi32, #tpu.memory_space<hbm>> -> memref<128xi32, #tpu.memory_space<hbm>>
      %dma_wait3A_73 = tpu.memref_slice %arg3[%add3A, %mul3A_70] : memref<32x10240xi32, #tpu.memory_space<hbm>> -> memref<1x128xi32, #tpu.memory_space<hbm>>
      %dma_wait3A_74 = tpu.memref_squeeze %dma_wait3A_73 : memref<1x128xi32, #tpu.memory_space<hbm>> -> memref<128xi32, #tpu.memory_space<hbm>>
      tpu.wait_dma2 semaphore(%arg18 : memref<!tpu.dma_semaphore, #tpu.memory_space<semaphore_mem>>) src(%dma_wait3A_74 : memref<128xi32, #tpu.memory_space<hbm>>) dst(%arg12 : memref<128xi32, #tpu.memory_space<vmem>>)
      %dma_start3A_75 = arith.constant 0 : i32
      %dma_start3A_76 = arith.constant 0 : i32
      %dma_start3A_77 = tpu.memref_slice %arg2[%dma_start3A_75, %dma_start3A_76] : memref<10000x128xf32, #tpu.memory_space<hbm>> -> memref<10000x128xf32, #tpu.memory_space<hbm>>
      tpu.enqueue_indirect_dma source(%dma_start3A_77 : memref<10000x128xf32, #tpu.memory_space<hbm>>) target(%arg14 : memref<128x128xf32, #tpu.memory_space<vmem>>) offsets(%arg12 : memref<128xi32, #tpu.memory_space<vmem>>) semaphore(%arg16 : memref<!tpu.dma_semaphore, #tpu.memory_space<semaphore_mem>>)
      %dma_wait3A_78 = arith.constant 0 : i32
      %dma_wait3A_79 = arith.constant 0 : i32
      %dma_wait3A_80 = tpu.memref_slice %arg2[%dma_wait3A_78, %dma_wait3A_79] : memref<10000x128xf32, #tpu.memory_space<hbm>> -> memref<10000x128xf32, #tpu.memory_space<hbm>>
      tpu.wait_indirect_dma semaphore(%arg17 : memref<!tpu.dma_semaphore, #tpu.memory_space<semaphore_mem>>) src(%dma_wait3A_80 : memref<10000x128xf32, #tpu.memory_space<hbm>>) dst(%arg15 : memref<128x128xf32, #tpu.memory_space<vmem>>)
      %add3A_81 = arith.constant 3 : i32
      %add3A_82 = arith.addi %mul3A_50, %add3A_81 : i32
      %mul3A_83 = arith.constant 128 : i32
      %mul3A_84 = arith.muli %add3A_82, %mul3A_83 : i32
      %dma_start3A_85 = tpu.memref_slice %arg3[%add3A, %mul3A_84] : memref<32x10240xi32, #tpu.memory_space<hbm>> -> memref<1x128xi32, #tpu.memory_space<hbm>>
      %dma_start3A_86 = tpu.memref_squeeze %dma_start3A_85 : memref<1x128xi32, #tpu.memory_space<hbm>> -> memref<128xi32, #tpu.memory_space<hbm>>
      %dma_start3A_87 = tpu.memref_slice %arg3[%add3A, %mul3A_84] : memref<32x10240xi32, #tpu.memory_space<hbm>> -> memref<1x128xi32, #tpu.memory_space<hbm>>
      %dma_start3A_88 = tpu.memref_squeeze %dma_start3A_87 : memref<1x128xi32, #tpu.memory_space<hbm>> -> memref<128xi32, #tpu.memory_space<hbm>>
      tpu.enqueue_dma source(%dma_start3A_88 : memref<128xi32, #tpu.memory_space<hbm>>) target(%arg13 : memref<128xi32, #tpu.memory_space<vmem>>) target_semaphore(%arg19 : memref<!tpu.dma_semaphore, #tpu.memory_space<semaphore_mem>>)
      %add3A_89 = arith.constant 1 : i32
      %add3A_90 = arith.addi %mul3A_50, %add3A_89 : i32
      "tpu.region"() ({
        %run_scoped3A_107 = tpu.sem_alloc : memref<!tpu.dma_semaphore, #tpu.memory_space<semaphore_mem>>
        %dma_start3A_108 = arith.constant 0 : i32
        %dma_start3A_109 = tpu.memref_slice %arg11[%add3A_90, %dma_start3A_108] : memref<80x128xi32, #tpu.memory_space<vmem>> -> memref<1x128xi32, #tpu.memory_space<vmem>>
        %dma_start3A_110 = tpu.memref_squeeze %dma_start3A_109 : memref<1x128xi32, #tpu.memory_space<vmem>> -> memref<128xi32, #tpu.memory_space<vmem>>
        %dma_start3A_111 = arith.constant 0 : i32
        %dma_start3A_112 = arith.constant 0 : i32
        %dma_start3A_113 = tpu.memref_slice %arg10[%dma_start3A_111, %dma_start3A_112] : memref<10240x128xf32, #tpu.memory_space<vmem_shared>> -> memref<10240x128xf32, #tpu.memory_space<vmem_shared>>
        tpu.enqueue_indirect_dma source(%arg15 : memref<128x128xf32, #tpu.memory_space<vmem>>) target(%dma_start3A_113 : memref<10240x128xf32, #tpu.memory_space<vmem_shared>>) offsets(%dma_start3A_110 : memref<128xi32, #tpu.memory_space<vmem>>) semaphore(%run_scoped3A_107 : memref<!tpu.dma_semaphore, #tpu.memory_space<semaphore_mem>>) {add = true}
        %dma_wait3A_114 = arith.constant 0 : i32
        %dma_wait3A_115 = tpu.memref_slice %arg11[%add3A_90, %dma_wait3A_114] : memref<80x128xi32, #tpu.memory_space<vmem>> -> memref<1x128xi32, #tpu.memory_space<vmem>>
        %dma_wait3A_116 = tpu.memref_squeeze %dma_wait3A_115 : memref<1x128xi32, #tpu.memory_space<vmem>> -> memref<128xi32, #tpu.memory_space<vmem>>
        %dma_wait3A_117 = arith.constant 0 : i32
        %dma_wait3A_118 = arith.constant 0 : i32
        %dma_wait3A_119 = tpu.memref_slice %arg10[%dma_wait3A_117, %dma_wait3A_118] : memref<10240x128xf32, #tpu.memory_space<vmem_shared>> -> memref<10240x128xf32, #tpu.memory_space<vmem_shared>>
        tpu.wait_indirect_dma semaphore(%run_scoped3A_107 : memref<!tpu.dma_semaphore, #tpu.memory_space<semaphore_mem>>) src(%arg15 : memref<128x128xf32, #tpu.memory_space<vmem>>) dst(%dma_wait3A_119 : memref<10240x128xf32, #tpu.memory_space<vmem_shared>>)
        tpu.yield
      }) : () -> ()
      %dma_start3A_91 = arith.constant 0 : i32
      %dma_start3A_92 = tpu.memref_slice %arg11[%add3A_90, %dma_start3A_91] : memref<80x128xi32, #tpu.memory_space<vmem>> -> memref<1x128xi32, #tpu.memory_space<vmem>>
      %dma_start3A_93 = tpu.memref_squeeze %dma_start3A_92 : memref<1x128xi32, #tpu.memory_space<vmem>> -> memref<128xi32, #tpu.memory_space<vmem>>
      %dma_start3A_94 = arith.constant 0 : i32
      %dma_start3A_95 = tpu.memref_slice %arg20[%dma_start3A_94] : memref<10240xf32, #tpu.memory_space<vmem_shared>> -> memref<10240xf32, #tpu.memory_space<vmem_shared>>
      tpu.enqueue_indirect_dma source(%arg21 : memref<128xf32, #tpu.memory_space<vmem>>) target(%dma_start3A_95 : memref<10240xf32, #tpu.memory_space<vmem_shared>>) offsets(%dma_start3A_93 : memref<128xi32, #tpu.memory_space<vmem>>) semaphore(%arg22 : memref<!tpu.dma_semaphore, #tpu.memory_space<semaphore_mem>>) {add = true}
      %add3A_96 = arith.constant 3 : i32
      %add3A_97 = arith.addi %mul3A_50, %add3A_96 : i32
      %mul3A_98 = arith.constant 128 : i32
      %mul3A_99 = arith.muli %add3A_97, %mul3A_98 : i32
      %dma_wait3A_100 = tpu.memref_slice %arg3[%add3A, %mul3A_99] : memref<32x10240xi32, #tpu.memory_space<hbm>> -> memref<1x128xi32, #tpu.memory_space<hbm>>
      %dma_wait3A_101 = tpu.memref_squeeze %dma_wait3A_100 : memref<1x128xi32, #tpu.memory_space<hbm>> -> memref<128xi32, #tpu.memory_space<hbm>>
      %dma_wait3A_102 = tpu.memref_slice %arg3[%add3A, %mul3A_99] : memref<32x10240xi32, #tpu.memory_space<hbm>> -> memref<1x128xi32, #tpu.memory_space<hbm>>
      %dma_wait3A_103 = tpu.memref_squeeze %dma_wait3A_102 : memref<1x128xi32, #tpu.memory_space<hbm>> -> memref<128xi32, #tpu.memory_space<hbm>>
      tpu.wait_dma2 semaphore(%arg19 : memref<!tpu.dma_semaphore, #tpu.memory_space<semaphore_mem>>) src(%dma_wait3A_103 : memref<128xi32, #tpu.memory_space<hbm>>) dst(%arg13 : memref<128xi32, #tpu.memory_space<vmem>>)
      %dma_start3A_104 = arith.constant 0 : i32
      %dma_start3A_105 = arith.constant 0 : i32
      %dma_start3A_106 = tpu.memref_slice %arg2[%dma_start3A_104, %dma_start3A_105] : memref<10000x128xf32, #tpu.memory_space<hbm>> -> memref<10000x128xf32, #tpu.memory_space<hbm>>
      tpu.enqueue_indirect_dma source(%dma_start3A_106 : memref<10000x128xf32, #tpu.memory_space<hbm>>) target(%arg15 : memref<128x128xf32, #tpu.memory_space<vmem>>) offsets(%arg13 : memref<128xi32, #tpu.memory_space<vmem>>) semaphore(%arg17 : memref<!tpu.dma_semaphore, #tpu.memory_space<semaphore_mem>>)
    }
    %scan3A_14 = arith.constant 39 : i32
    %dma_wait3A = arith.constant 0 : i32
    %dma_wait3A_15 = arith.constant 0 : i32
    %dma_wait3A_16 = tpu.memref_slice %arg2[%dma_wait3A, %dma_wait3A_15] : memref<10000x128xf32, #tpu.memory_space<hbm>> -> memref<10000x128xf32, #tpu.memory_space<hbm>>
    tpu.wait_indirect_dma semaphore(%arg16 : memref<!tpu.dma_semaphore, #tpu.memory_space<semaphore_mem>>) src(%dma_wait3A_16 : memref<10000x128xf32, #tpu.memory_space<hbm>>) dst(%arg14 : memref<128x128xf32, #tpu.memory_space<vmem>>)
    %run_scoped3A = arith.constant 78 : i32
    "tpu.region"() ({
      %run_scoped3A_48 = tpu.sem_alloc : memref<!tpu.dma_semaphore, #tpu.memory_space<semaphore_mem>>
      %dma_start3A_49 = arith.constant 0 : i32
      %dma_start3A_50 = tpu.memref_slice %arg11[%run_scoped3A, %dma_start3A_49] : memref<80x128xi32, #tpu.memory_space<vmem>> -> memref<1x128xi32, #tpu.memory_space<vmem>>
      %dma_start3A_51 = tpu.memref_squeeze %dma_start3A_50 : memref<1x128xi32, #tpu.memory_space<vmem>> -> memref<128xi32, #tpu.memory_space<vmem>>
      %dma_start3A_52 = arith.constant 0 : i32
      %dma_start3A_53 = arith.constant 0 : i32
      %dma_start3A_54 = tpu.memref_slice %arg10[%dma_start3A_52, %dma_start3A_53] : memref<10240x128xf32, #tpu.memory_space<vmem_shared>> -> memref<10240x128xf32, #tpu.memory_space<vmem_shared>>
      tpu.enqueue_indirect_dma source(%arg14 : memref<128x128xf32, #tpu.memory_space<vmem>>) target(%dma_start3A_54 : memref<10240x128xf32, #tpu.memory_space<vmem_shared>>) offsets(%dma_start3A_51 : memref<128xi32, #tpu.memory_space<vmem>>) semaphore(%run_scoped3A_48 : memref<!tpu.dma_semaphore, #tpu.memory_space<semaphore_mem>>) {add = true}
      %dma_wait3A_55 = arith.constant 0 : i32
      %dma_wait3A_56 = tpu.memref_slice %arg11[%run_scoped3A, %dma_wait3A_55] : memref<80x128xi32, #tpu.memory_space<vmem>> -> memref<1x128xi32, #tpu.memory_space<vmem>>
      %dma_wait3A_57 = tpu.memref_squeeze %dma_wait3A_56 : memref<1x128xi32, #tpu.memory_space<vmem>> -> memref<128xi32, #tpu.memory_space<vmem>>
      %dma_wait3A_58 = arith.constant 0 : i32
      %dma_wait3A_59 = arith.constant 0 : i32
      %dma_wait3A_60 = tpu.memref_slice %arg10[%dma_wait3A_58, %dma_wait3A_59] : memref<10240x128xf32, #tpu.memory_space<vmem_shared>> -> memref<10240x128xf32, #tpu.memory_space<vmem_shared>>
      tpu.wait_indirect_dma semaphore(%run_scoped3A_48 : memref<!tpu.dma_semaphore, #tpu.memory_space<semaphore_mem>>) src(%arg14 : memref<128x128xf32, #tpu.memory_space<vmem>>) dst(%dma_wait3A_60 : memref<10240x128xf32, #tpu.memory_space<vmem_shared>>)
      tpu.yield
    }) : () -> ()
    %dma_start3A_17 = arith.constant 78 : i32
    %dma_start3A_18 = arith.constant 0 : i32
    %dma_start3A_19 = tpu.memref_slice %arg11[%dma_start3A_17, %dma_start3A_18] : memref<80x128xi32, #tpu.memory_space<vmem>> -> memref<1x128xi32, #tpu.memory_space<vmem>>
    %dma_start3A_20 = tpu.memref_squeeze %dma_start3A_19 : memref<1x128xi32, #tpu.memory_space<vmem>> -> memref<128xi32, #tpu.memory_space<vmem>>
    %dma_start3A_21 = arith.constant 0 : i32
    %dma_start3A_22 = tpu.memref_slice %arg20[%dma_start3A_21] : memref<10240xf32, #tpu.memory_space<vmem_shared>> -> memref<10240xf32, #tpu.memory_space<vmem_shared>>
    tpu.enqueue_indirect_dma source(%arg21 : memref<128xf32, #tpu.memory_space<vmem>>) target(%dma_start3A_22 : memref<10240xf32, #tpu.memory_space<vmem_shared>>) offsets(%dma_start3A_20 : memref<128xi32, #tpu.memory_space<vmem>>) semaphore(%arg22 : memref<!tpu.dma_semaphore, #tpu.memory_space<semaphore_mem>>) {add = true}
    %dma_wait3A_23 = arith.constant 0 : i32
    %dma_wait3A_24 = arith.constant 0 : i32
    %dma_wait3A_25 = tpu.memref_slice %arg2[%dma_wait3A_23, %dma_wait3A_24] : memref<10000x128xf32, #tpu.memory_space<hbm>> -> memref<10000x128xf32, #tpu.memory_space<hbm>>
    tpu.wait_indirect_dma semaphore(%arg17 : memref<!tpu.dma_semaphore, #tpu.memory_space<semaphore_mem>>) src(%dma_wait3A_25 : memref<10000x128xf32, #tpu.memory_space<hbm>>) dst(%arg15 : memref<128x128xf32, #tpu.memory_space<vmem>>)
    %run_scoped3A_26 = arith.constant 79 : i32
    "tpu.region"() ({
      %run_scoped3A_48 = tpu.sem_alloc : memref<!tpu.dma_semaphore, #tpu.memory_space<semaphore_mem>>
      %dma_start3A_49 = arith.constant 0 : i32
      %dma_start3A_50 = tpu.memref_slice %arg11[%run_scoped3A_26, %dma_start3A_49] : memref<80x128xi32, #tpu.memory_space<vmem>> -> memref<1x128xi32, #tpu.memory_space<vmem>>
      %dma_start3A_51 = tpu.memref_squeeze %dma_start3A_50 : memref<1x128xi32, #tpu.memory_space<vmem>> -> memref<128xi32, #tpu.memory_space<vmem>>
      %dma_start3A_52 = arith.constant 0 : i32
      %dma_start3A_53 = arith.constant 0 : i32
      %dma_start3A_54 = tpu.memref_slice %arg10[%dma_start3A_52, %dma_start3A_53] : memref<10240x128xf32, #tpu.memory_space<vmem_shared>> -> memref<10240x128xf32, #tpu.memory_space<vmem_shared>>
      tpu.enqueue_indirect_dma source(%arg15 : memref<128x128xf32, #tpu.memory_space<vmem>>) target(%dma_start3A_54 : memref<10240x128xf32, #tpu.memory_space<vmem_shared>>) offsets(%dma_start3A_51 : memref<128xi32, #tpu.memory_space<vmem>>) semaphore(%run_scoped3A_48 : memref<!tpu.dma_semaphore, #tpu.memory_space<semaphore_mem>>) {add = true}
      %dma_wait3A_55 = arith.constant 0 : i32
      %dma_wait3A_56 = tpu.memref_slice %arg11[%run_scoped3A_26, %dma_wait3A_55] : memref<80x128xi32, #tpu.memory_space<vmem>> -> memref<1x128xi32, #tpu.memory_space<vmem>>
      %dma_wait3A_57 = tpu.memref_squeeze %dma_wait3A_56 : memref<1x128xi32, #tpu.memory_space<vmem>> -> memref<128xi32, #tpu.memory_space<vmem>>
      %dma_wait3A_58 = arith.constant 0 : i32
      %dma_wait3A_59 = arith.constant 0 : i32
      %dma_wait3A_60 = tpu.memref_slice %arg10[%dma_wait3A_58, %dma_wait3A_59] : memref<10240x128xf32, #tpu.memory_space<vmem_shared>> -> memref<10240x128xf32, #tpu.memory_space<vmem_shared>>
      tpu.wait_indirect_dma semaphore(%run_scoped3A_48 : memref<!tpu.dma_semaphore, #tpu.memory_space<semaphore_mem>>) src(%arg15 : memref<128x128xf32, #tpu.memory_space<vmem>>) dst(%dma_wait3A_60 : memref<10240x128xf32, #tpu.memory_space<vmem_shared>>)
      tpu.yield
    }) : () -> ()
    %dma_start3A_27 = arith.constant 79 : i32
    %dma_start3A_28 = arith.constant 0 : i32
    %dma_start3A_29 = tpu.memref_slice %arg11[%dma_start3A_27, %dma_start3A_28] : memref<80x128xi32, #tpu.memory_space<vmem>> -> memref<1x128xi32, #tpu.memory_space<vmem>>
    %dma_start3A_30 = tpu.memref_squeeze %dma_start3A_29 : memref<1x128xi32, #tpu.memory_space<vmem>> -> memref<128xi32, #tpu.memory_space<vmem>>
    %dma_start3A_31 = arith.constant 0 : i32
    %dma_start3A_32 = tpu.memref_slice %arg20[%dma_start3A_31] : memref<10240xf32, #tpu.memory_space<vmem_shared>> -> memref<10240xf32, #tpu.memory_space<vmem_shared>>
    tpu.enqueue_indirect_dma source(%arg21 : memref<128xf32, #tpu.memory_space<vmem>>) target(%dma_start3A_32 : memref<10240xf32, #tpu.memory_space<vmem_shared>>) offsets(%dma_start3A_30 : memref<128xi32, #tpu.memory_space<vmem>>) semaphore(%arg22 : memref<!tpu.dma_semaphore, #tpu.memory_space<semaphore_mem>>) {add = true}
    %scan3A_33 = arith.constant 0 : i32
    %scan3A_34 = arith.constant 0 : i32
    %scan3A_35 = arith.constant 80 : i32
    %scan3A_36 = arith.addi %scan3A_34, %scan3A_35 : i32
    %scan3A_37 = arith.constant 1 : i32
    scf.for %scan3A_48 = %scan3A_34 to %scan3A_36 step %scan3A_37  : i32 {
      tpu.wait_dma2 semaphore(%arg22 : memref<!tpu.dma_semaphore, #tpu.memory_space<semaphore_mem>>) src(%arg7 : memref<128xf32, #tpu.memory_space<hbm>>) dst(%arg21 : memref<128xf32, #tpu.memory_space<vmem>>)
    }
    %scan3A_38 = arith.constant 80 : i32
    %barrier3A_39 = arith.constant 0 : index
    tpu.barrier barrier_id(%barrier3A_39)
    %mul3A_40 = arith.constant 640 : i32
    %mul3A_41 = arith.muli %arg1, %mul3A_40 : i32
    %mul3A_42 = arith.constant 640 : i32
    %mul3A_43 = arith.muli %arg1, %mul3A_42 : i32
    "tpu.region"() ({
      %run_scoped3A_48 = tpu.sem_alloc : memref<!tpu.dma_semaphore, #tpu.memory_space<semaphore_mem>>
      %dma_start3A_49 = arith.constant 0 : i32
      %dma_start3A_50 = tpu.memref_slice %arg8[%arg0, %mul3A_43, %dma_start3A_49] : memref<2x10240x128xf32, #tpu.memory_space<hbm>> -> memref<1x640x128xf32, #tpu.memory_space<hbm>>
      %dma_start3A_51 = tpu.memref_squeeze %dma_start3A_50 : memref<1x640x128xf32, #tpu.memory_space<hbm>> -> memref<640x128xf32, #tpu.memory_space<hbm>>
      %dma_start3A_52 = arith.constant 0 : i32
      %dma_start3A_53 = tpu.memref_slice %arg10[%mul3A_41, %dma_start3A_52] : memref<10240x128xf32, #tpu.memory_space<vmem_shared>> -> memref<640x128xf32, #tpu.memory_space<vmem_shared>>
      tpu.enqueue_dma source(%dma_start3A_53 : memref<640x128xf32, #tpu.memory_space<vmem_shared>>) target(%dma_start3A_51 : memref<640x128xf32, #tpu.memory_space<hbm>>) target_semaphore(%run_scoped3A_48 : memref<!tpu.dma_semaphore, #tpu.memory_space<semaphore_mem>>)
      %dma_wait3A_54 = arith.constant 0 : i32
      %dma_wait3A_55 = tpu.memref_slice %arg8[%arg0, %mul3A_43, %dma_wait3A_54] : memref<2x10240x128xf32, #tpu.memory_space<hbm>> -> memref<1x640x128xf32, #tpu.memory_space<hbm>>
      %dma_wait3A_56 = tpu.memref_squeeze %dma_wait3A_55 : memref<1x640x128xf32, #tpu.memory_space<hbm>> -> memref<640x128xf32, #tpu.memory_space<hbm>>
      %dma_wait3A_57 = arith.constant 0 : i32
      %dma_wait3A_58 = tpu.memref_slice %arg10[%mul3A_41, %dma_wait3A_57] : memref<10240x128xf32, #tpu.memory_space<vmem_shared>> -> memref<640x128xf32, #tpu.memory_space<vmem_shared>>
      tpu.wait_dma2 semaphore(%run_scoped3A_48 : memref<!tpu.dma_semaphore, #tpu.memory_space<semaphore_mem>>) src(%dma_wait3A_58 : memref<640x128xf32, #tpu.memory_space<vmem_shared>>) dst(%dma_wait3A_56 : memref<640x128xf32, #tpu.memory_space<hbm>>)
      tpu.yield
    }) : () -> ()
    %mul3A_44 = arith.constant 640 : i32
    %mul3A_45 = arith.muli %arg1, %mul3A_44 : i32
    %mul3A_46 = arith.constant 640 : i32
    %mul3A_47 = arith.muli %arg1, %mul3A_46 : i32
    "tpu.region"() ({
      %run_scoped3A_48 = tpu.sem_alloc : memref<!tpu.dma_semaphore, #tpu.memory_space<semaphore_mem>>
      %dma_start3A_49 = tpu.memref_slice %arg9[%arg0, %mul3A_47] : memref<2x10240xf32, #tpu.memory_space<hbm>> -> memref<1x640xf32, #tpu.memory_space<hbm>>
      %dma_start3A_50 = tpu.memref_squeeze %dma_start3A_49 : memref<1x640xf32, #tpu.memory_space<hbm>> -> memref<640xf32, #tpu.memory_space<hbm>>
      %dma_start3A_51 = tpu.memref_slice %arg20[%mul3A_45] : memref<10240xf32, #tpu.memory_space<vmem_shared>> -> memref<640xf32, #tpu.memory_space<vmem_shared>>
      tpu.enqueue_dma source(%dma_start3A_51 : memref<640xf32, #tpu.memory_space<vmem_shared>>) target(%dma_start3A_50 : memref<640xf32, #tpu.memory_space<hbm>>) target_semaphore(%run_scoped3A_48 : memref<!tpu.dma_semaphore, #tpu.memory_space<semaphore_mem>>)
      %dma_wait3A_52 = tpu.memref_slice %arg9[%arg0, %mul3A_47] : memref<2x10240xf32, #tpu.memory_space<hbm>> -> memref<1x640xf32, #tpu.memory_space<hbm>>
      %dma_wait3A_53 = tpu.memref_squeeze %dma_wait3A_52 : memref<1x640xf32, #tpu.memory_space<hbm>> -> memref<640xf32, #tpu.memory_space<hbm>>
      %dma_wait3A_54 = tpu.memref_slice %arg20[%mul3A_45] : memref<10240xf32, #tpu.memory_space<vmem_shared>> -> memref<640xf32, #tpu.memory_space<vmem_shared>>
      tpu.wait_dma2 semaphore(%run_scoped3A_48 : memref<!tpu.dma_semaphore, #tpu.memory_space<semaphore_mem>>) src(%dma_wait3A_54 : memref<640xf32, #tpu.memory_space<vmem_shared>>) dst(%dma_wait3A_53 : memref<640xf32, #tpu.memory_space<hbm>>)
      tpu.yield
    }) : () -> ()
    return
  }
}

module attributes {stable_mosaic.version = 14 : i64} {
  func.func @_tc_layer_body(%arg0: i32, %arg1: memref<2x2000x128xf32, #tpu.memory_space<vmem>>, %arg2: memref<2x2000x1xf32, #tpu.memory_space<vmem>>, %arg3: memref<2000x128xf32, #tpu.memory_space<vmem>>, %arg4: memref<128x128xf32, #tpu.memory_space<vmem>>, %arg5: memref<128x128xf32, #tpu.memory_space<vmem>>, %arg6: memref<1x128xf32, #tpu.memory_space<vmem>>, %arg7: memref<2000x128xf32, #tpu.memory_space<vmem>>) attributes {dimension_semantics = [#tpu.dimension_semantics<arbitrary>], iteration_bounds = array<i64: 5>, scalar_prefetch = 0 : i64, scratch_operands = 0 : i64, tpu.core_type = #tpu.core_type<tc>, window_params = [{transform_indices = @transform_0, window_bounds = array<i64: 2, 2000, 128>}, {transform_indices = @transform_1, window_bounds = array<i64: 2, 2000, 1>}, {transform_indices = @transform_2, window_bounds = array<i64: 2000, 128>}, {pipeline_mode = #tpu.pipeline_mode<synchronous>, transform_indices = @transform_3, window_bounds = array<i64: 128, 128>}, {pipeline_mode = #tpu.pipeline_mode<synchronous>, transform_indices = @transform_4, window_bounds = array<i64: 128, 128>}, {pipeline_mode = #tpu.pipeline_mode<synchronous>, transform_indices = @transform_5, window_bounds = array<i64: 1, 128>}, {transform_indices = @transform_6, window_bounds = array<i64: 2000, 128>}]} {
    %get3A = arith.constant 0 : index
    %get3A_0 = arith.constant 0 : index
    %get3A_1 = arith.constant 0 : index
    %get3A_2 = vector.load %arg2[%get3A, %get3A_0, %get3A_1] : memref<2x2000x1xf32, #tpu.memory_space<vmem>>, vector<2x2000x1xf32>
    %slice3A = vector.extract_strided_slice %get3A_2 {offsets = [0, 0, 0], sizes = [1, 2000, 1], strides = [1, 1, 1]} : vector<2x2000x1xf32> to vector<1x2000x1xf32>
    %squeeze3A = vector.shape_cast %slice3A : vector<1x2000x1xf32> to vector<2000x1xf32>
    %slice3A_3 = vector.extract_strided_slice %get3A_2 {offsets = [1, 0, 0], sizes = [1, 2000, 1], strides = [1, 1, 1]} : vector<2x2000x1xf32> to vector<1x2000x1xf32>
    %squeeze3A_4 = vector.shape_cast %slice3A_3 : vector<1x2000x1xf32> to vector<2000x1xf32>
    %add3A = arith.addf %squeeze3A, %squeeze3A_4 : vector<2000x1xf32>
    %max3A = arith.constant 1.000000e+00 : f32
    %max3A_5 = vector.broadcast %max3A : f32 to vector<2000x1xf32>
    %max3A_6 = arith.maximumf %add3A, %max3A_5 : vector<2000x1xf32>
    %div3A = arith.constant 1.000000e+00 : f32
    %div3A_7 = vector.broadcast %div3A : f32 to vector<2000x1xf32>
    %div3A_8 = arith.divf %div3A_7, %max3A_6 : vector<2000x1xf32>
    %get3A_9 = arith.constant 0 : index
    %get3A_10 = arith.constant 0 : index
    %get3A_11 = arith.constant 0 : index
    %get3A_12 = vector.load %arg1[%get3A_9, %get3A_10, %get3A_11] : memref<2x2000x128xf32, #tpu.memory_space<vmem>>, vector<2x2000x128xf32>
    %slice3A_13 = vector.extract_strided_slice %get3A_12 {offsets = [0, 0, 0], sizes = [1, 2000, 128], strides = [1, 1, 1]} : vector<2x2000x128xf32> to vector<1x2000x128xf32>
    %squeeze3A_14 = vector.shape_cast %slice3A_13 : vector<1x2000x128xf32> to vector<2000x128xf32>
    %slice3A_15 = vector.extract_strided_slice %get3A_12 {offsets = [1, 0, 0], sizes = [1, 2000, 128], strides = [1, 1, 1]} : vector<2x2000x128xf32> to vector<1x2000x128xf32>
    %squeeze3A_16 = vector.shape_cast %slice3A_15 : vector<1x2000x128xf32> to vector<2000x128xf32>
    %add3A_17 = arith.addf %squeeze3A_14, %squeeze3A_16 : vector<2000x128xf32>
    %mul3A = vector.broadcast %div3A_8 : vector<2000x1xf32> to vector<2000x128xf32>
    %mul3A_18 = arith.mulf %add3A_17, %mul3A : vector<2000x128xf32>
    %get3A_19 = arith.constant 0 : index
    %get3A_20 = arith.constant 0 : index
    %get3A_21 = vector.load %arg4[%get3A_19, %get3A_20] : memref<128x128xf32, #tpu.memory_space<vmem>>, vector<128x128xf32>
    %dot_general3A = arith.constant dense<0.000000e+00> : vector<2000x128xf32>
    %dot_general3A_22 = tpu.matmul %mul3A_18, %get3A_21, %dot_general3A {dimension_numbers = #tpu.dot_dimension_numbers<[1], [0], [0], [1], [0, 0, 1, 1], [], []>, transpose_lhs_hint = false} : vector<2000x128xf32>, vector<128x128xf32>, vector<2000x128xf32> -> vector<2000x128xf32>
    %get3A_23 = arith.constant 0 : index
    %get3A_24 = arith.constant 0 : index
    %get3A_25 = vector.load %arg3[%get3A_23, %get3A_24] : memref<2000x128xf32, #tpu.memory_space<vmem>>, vector<2000x128xf32>
    %get3A_26 = arith.constant 0 : index
    %get3A_27 = arith.constant 0 : index
    %get3A_28 = vector.load %arg5[%get3A_26, %get3A_27] : memref<128x128xf32, #tpu.memory_space<vmem>>, vector<128x128xf32>
    %dot_general3A_29 = arith.constant dense<0.000000e+00> : vector<2000x128xf32>
    %dot_general3A_30 = tpu.matmul %get3A_25, %get3A_28, %dot_general3A_29 {dimension_numbers = #tpu.dot_dimension_numbers<[1], [0], [0], [1], [0, 0, 1, 1], [], []>, transpose_lhs_hint = false} : vector<2000x128xf32>, vector<128x128xf32>, vector<2000x128xf32> -> vector<2000x128xf32>
    %add3A_31 = arith.addf %dot_general3A_22, %dot_general3A_30 : vector<2000x128xf32>
    %get3A_32 = arith.constant 0 : index
    %get3A_33 = arith.constant 0 : index
    %get3A_34 = vector.load %arg6[%get3A_32, %get3A_33] : memref<1x128xf32, #tpu.memory_space<vmem>>, vector<1x128xf32>
    %add3A_35 = vector.broadcast %get3A_34 : vector<1x128xf32> to vector<2000x128xf32>
    %add3A_36 = arith.addf %add3A_31, %add3A_35 : vector<2000x128xf32>
    %max3A_37 = arith.constant 0.000000e+00 : f32
    %max3A_38 = vector.broadcast %max3A_37 : f32 to vector<2000x128xf32>
    %max3A_39 = arith.maximumf %add3A_36, %max3A_38 : vector<2000x128xf32>
    %swap3A = arith.constant 0 : index
    %swap3A_40 = arith.constant 0 : index
    %swap3A_41 = vector.load %arg7[%swap3A, %swap3A_40] : memref<2000x128xf32, #tpu.memory_space<vmem>>, vector<2000x128xf32>
    tpu.vector_store %arg7[%swap3A, %swap3A_40], %max3A_39 {strides = array<i32>} : memref<2000x128xf32, #tpu.memory_space<vmem>>, vector<2000x128xf32>,
    return
  }
  func.func @transform_0(%arg0: i32) -> (i32, i32, i32) {
    %c0_i32 = arith.constant 0 : i32
    %c0_i32_0 = arith.constant 0 : i32
    %c0_i32_1 = arith.constant 0 : i32
    return %c0_i32, %arg0, %c0_i32_0 : i32, i32, i32
  }
  func.func @transform_1(%arg0: i32) -> (i32, i32, i32) {
    %c0_i32 = arith.constant 0 : i32
    %c0_i32_0 = arith.constant 0 : i32
    %c0_i32_1 = arith.constant 0 : i32
    return %c0_i32, %arg0, %c0_i32_0 : i32, i32, i32
  }
  func.func @transform_2(%arg0: i32) -> (i32, i32) {
    %c0_i32 = arith.constant 0 : i32
    %c0_i32_0 = arith.constant 0 : i32
    return %arg0, %c0_i32 : i32, i32
  }
  func.func @transform_3(%arg0: i32) -> (i32, i32) {
    %c0_i32 = arith.constant 0 : i32
    %c0_i32_0 = arith.constant 0 : i32
    %c0_i32_1 = arith.constant 0 : i32
    return %c0_i32, %c0_i32_0 : i32, i32
  }
  func.func @transform_4(%arg0: i32) -> (i32, i32) {
    %c0_i32 = arith.constant 0 : i32
    %c0_i32_0 = arith.constant 0 : i32
    %c0_i32_1 = arith.constant 0 : i32
    return %c0_i32, %c0_i32_0 : i32, i32
  }
  func.func @transform_5(%arg0: i32) -> (i32, i32) {
    %c0_i32 = arith.constant 0 : i32
    %c0_i32_0 = arith.constant 0 : i32
    %c0_i32_1 = arith.constant 0 : i32
    return %c0_i32, %c0_i32_0 : i32, i32
  }
  func.func @transform_6(%arg0: i32) -> (i32, i32) {
    %c0_i32 = arith.constant 0 : i32
    %c0_i32_0 = arith.constant 0 : i32
    return %arg0, %c0_i32 : i32, i32
  }
}

module attributes {stable_mosaic.version = 14 : i64} {
  func.func @_tc_layer_body(%arg0: i32, %arg1: memref<2x2000x128xf32, #tpu.memory_space<vmem>>, %arg2: memref<2x2000x1xf32, #tpu.memory_space<vmem>>, %arg3: memref<2000x128xf32, #tpu.memory_space<vmem>>, %arg4: memref<128x128xf32, #tpu.memory_space<vmem>>, %arg5: memref<128x128xf32, #tpu.memory_space<vmem>>, %arg6: memref<1x128xf32, #tpu.memory_space<vmem>>, %arg7: memref<2000x128xf32, #tpu.memory_space<vmem>>) attributes {dimension_semantics = [#tpu.dimension_semantics<arbitrary>], iteration_bounds = array<i64: 5>, scalar_prefetch = 0 : i64, scratch_operands = 0 : i64, tpu.core_type = #tpu.core_type<tc>, window_params = [{transform_indices = @transform_0, window_bounds = array<i64: 2, 2000, 128>}, {transform_indices = @transform_1, window_bounds = array<i64: 2, 2000, 1>}, {transform_indices = @transform_2, window_bounds = array<i64: 2000, 128>}, {pipeline_mode = #tpu.pipeline_mode<synchronous>, transform_indices = @transform_3, window_bounds = array<i64: 128, 128>}, {pipeline_mode = #tpu.pipeline_mode<synchronous>, transform_indices = @transform_4, window_bounds = array<i64: 128, 128>}, {pipeline_mode = #tpu.pipeline_mode<synchronous>, transform_indices = @transform_5, window_bounds = array<i64: 1, 128>}, {transform_indices = @transform_6, window_bounds = array<i64: 2000, 128>}]} {
    %get3A = arith.constant 0 : index
    %get3A_0 = arith.constant 0 : index
    %get3A_1 = arith.constant 0 : index
    %get3A_2 = vector.load %arg2[%get3A, %get3A_0, %get3A_1] : memref<2x2000x1xf32, #tpu.memory_space<vmem>>, vector<2x2000x1xf32>
    %slice3A = vector.extract_strided_slice %get3A_2 {offsets = [0, 0, 0], sizes = [1, 2000, 1], strides = [1, 1, 1]} : vector<2x2000x1xf32> to vector<1x2000x1xf32>
    %squeeze3A = vector.shape_cast %slice3A : vector<1x2000x1xf32> to vector<2000x1xf32>
    %slice3A_3 = vector.extract_strided_slice %get3A_2 {offsets = [1, 0, 0], sizes = [1, 2000, 1], strides = [1, 1, 1]} : vector<2x2000x1xf32> to vector<1x2000x1xf32>
    %squeeze3A_4 = vector.shape_cast %slice3A_3 : vector<1x2000x1xf32> to vector<2000x1xf32>
    %add3A = arith.addf %squeeze3A, %squeeze3A_4 : vector<2000x1xf32>
    %max3A = arith.constant 1.000000e+00 : f32
    %max3A_5 = vector.broadcast %max3A : f32 to vector<2000x1xf32>
    %max3A_6 = arith.maximumf %add3A, %max3A_5 : vector<2000x1xf32>
    %div3A = arith.constant 1.000000e+00 : f32
    %div3A_7 = vector.broadcast %div3A : f32 to vector<2000x1xf32>
    %div3A_8 = arith.divf %div3A_7, %max3A_6 : vector<2000x1xf32>
    %get3A_9 = arith.constant 0 : index
    %get3A_10 = arith.constant 0 : index
    %get3A_11 = arith.constant 0 : index
    %get3A_12 = vector.load %arg1[%get3A_9, %get3A_10, %get3A_11] : memref<2x2000x128xf32, #tpu.memory_space<vmem>>, vector<2x2000x128xf32>
    %slice3A_13 = vector.extract_strided_slice %get3A_12 {offsets = [0, 0, 0], sizes = [1, 2000, 128], strides = [1, 1, 1]} : vector<2x2000x128xf32> to vector<1x2000x128xf32>
    %squeeze3A_14 = vector.shape_cast %slice3A_13 : vector<1x2000x128xf32> to vector<2000x128xf32>
    %slice3A_15 = vector.extract_strided_slice %get3A_12 {offsets = [1, 0, 0], sizes = [1, 2000, 128], strides = [1, 1, 1]} : vector<2x2000x128xf32> to vector<1x2000x128xf32>
    %squeeze3A_16 = vector.shape_cast %slice3A_15 : vector<1x2000x128xf32> to vector<2000x128xf32>
    %add3A_17 = arith.addf %squeeze3A_14, %squeeze3A_16 : vector<2000x128xf32>
    %mul3A = vector.broadcast %div3A_8 : vector<2000x1xf32> to vector<2000x128xf32>
    %mul3A_18 = arith.mulf %add3A_17, %mul3A : vector<2000x128xf32>
    %get3A_19 = arith.constant 0 : index
    %get3A_20 = arith.constant 0 : index
    %get3A_21 = vector.load %arg4[%get3A_19, %get3A_20] : memref<128x128xf32, #tpu.memory_space<vmem>>, vector<128x128xf32>
    %dot_general3A = arith.constant dense<0.000000e+00> : vector<2000x128xf32>
    %dot_general3A_22 = tpu.matmul %mul3A_18, %get3A_21, %dot_general3A {dimension_numbers = #tpu.dot_dimension_numbers<[1], [0], [0], [1], [0, 0, 1, 1], [], []>, transpose_lhs_hint = false} : vector<2000x128xf32>, vector<128x128xf32>, vector<2000x128xf32> -> vector<2000x128xf32>
    %get3A_23 = arith.constant 0 : index
    %get3A_24 = arith.constant 0 : index
    %get3A_25 = vector.load %arg3[%get3A_23, %get3A_24] : memref<2000x128xf32, #tpu.memory_space<vmem>>, vector<2000x128xf32>
    %get3A_26 = arith.constant 0 : index
    %get3A_27 = arith.constant 0 : index
    %get3A_28 = vector.load %arg5[%get3A_26, %get3A_27] : memref<128x128xf32, #tpu.memory_space<vmem>>, vector<128x128xf32>
    %dot_general3A_29 = arith.constant dense<0.000000e+00> : vector<2000x128xf32>
    %dot_general3A_30 = tpu.matmul %get3A_25, %get3A_28, %dot_general3A_29 {dimension_numbers = #tpu.dot_dimension_numbers<[1], [0], [0], [1], [0, 0, 1, 1], [], []>, transpose_lhs_hint = false} : vector<2000x128xf32>, vector<128x128xf32>, vector<2000x128xf32> -> vector<2000x128xf32>
    %add3A_31 = arith.addf %dot_general3A_22, %dot_general3A_30 : vector<2000x128xf32>
    %get3A_32 = arith.constant 0 : index
    %get3A_33 = arith.constant 0 : index
    %get3A_34 = vector.load %arg6[%get3A_32, %get3A_33] : memref<1x128xf32, #tpu.memory_space<vmem>>, vector<1x128xf32>
    %add3A_35 = vector.broadcast %get3A_34 : vector<1x128xf32> to vector<2000x128xf32>
    %add3A_36 = arith.addf %add3A_31, %add3A_35 : vector<2000x128xf32>
    %swap3A = arith.constant 0 : index
    %swap3A_37 = arith.constant 0 : index
    %swap3A_38 = vector.load %arg7[%swap3A, %swap3A_37] : memref<2000x128xf32, #tpu.memory_space<vmem>>, vector<2000x128xf32>
    tpu.vector_store %arg7[%swap3A, %swap3A_37], %add3A_36 {strides = array<i32>} : memref<2000x128xf32, #tpu.memory_space<vmem>>, vector<2000x128xf32>,
    return
  }
  func.func @transform_0(%arg0: i32) -> (i32, i32, i32) {
    %c0_i32 = arith.constant 0 : i32
    %c0_i32_0 = arith.constant 0 : i32
    %c0_i32_1 = arith.constant 0 : i32
    return %c0_i32, %arg0, %c0_i32_0 : i32, i32, i32
  }
  func.func @transform_1(%arg0: i32) -> (i32, i32, i32) {
    %c0_i32 = arith.constant 0 : i32
    %c0_i32_0 = arith.constant 0 : i32
    %c0_i32_1 = arith.constant 0 : i32
    return %c0_i32, %arg0, %c0_i32_0 : i32, i32, i32
  }
  func.func @transform_2(%arg0: i32) -> (i32, i32) {
    %c0_i32 = arith.constant 0 : i32
    %c0_i32_0 = arith.constant 0 : i32
    return %arg0, %c0_i32 : i32, i32
  }
  func.func @transform_3(%arg0: i32) -> (i32, i32) {
    %c0_i32 = arith.constant 0 : i32
    %c0_i32_0 = arith.constant 0 : i32
    %c0_i32_1 = arith.constant 0 : i32
    return %c0_i32, %c0_i32_0 : i32, i32
  }
  func.func @transform_4(%arg0: i32) -> (i32, i32) {
    %c0_i32 = arith.constant 0 : i32
    %c0_i32_0 = arith.constant 0 : i32
    %c0_i32_1 = arith.constant 0 : i32
    return %c0_i32, %c0_i32_0 : i32, i32
  }
  func.func @transform_5(%arg0: i32) -> (i32, i32) {
    %c0_i32 = arith.constant 0 : i32
    %c0_i32_0 = arith.constant 0 : i32
    %c0_i32_1 = arith.constant 0 : i32
    return %c0_i32, %c0_i32_0 : i32, i32
  }
  func.func @transform_6(%arg0: i32) -> (i32, i32) {
    %c0_i32 = arith.constant 0 : i32
    %c0_i32_0 = arith.constant 0 : i32
    return %arg0, %c0_i32 : i32, i32
  }
}

</mosaic_0001>

<sc_bundles>
// kernel: kernel.6.cloned.1.call-start
scs
__scs_entry_jumppad:
0x0: {  	(pc) =	sbr.rel $0x88, $3  }
0x1: {  	(tag) =	ssettag $0x0;
	lr =	simm.s32 $0x1  }
0x2: {  	[smem:$0x3F99] =	sst lr;
	_ =	strace $0xD0000000  }
0x3: {  	_ = 	snop  }
0x4: {  	_ = 	snop  }
0x5: {  	_ = 	snop  }
0x6: {  	_ = 	snop  }
0x7: {  	_ = 	snop  }
__scs_overlays_trampoline_lowered:
0x8: {  	[smem:$0x3FA8] =	sst s0  }
0x9: {  	[smem:$0x3FA9] =	sst s1  }
0xa: {  	[smem:$0x3FAA] =	sst s2  }
0xb: {  	[smem:$0x3FAB] =	sst s3  }
0xc: {  	[smem:$0x3FAC] =	sst s4  }
0xd: {  	[smem:$0x3FAD] =	sst s5  }
0xe: {  	[smem:$0x3FAE] =	sst s6  }
0xf: {  	[smem:$0x3FAF] =	sst s7  }
0x10: {  	[smem:$0x3FB0] =	sst s8  }
0x11: {  	[smem:$0x3FB1] =	sst s9;
	s0 =	simm.s32 @!p0 $0x0  }
0x12: {  	s1 =	sld [smem:$0x3F97];
	s0 =	simm.s32 @p0 $0x1  }
0x13: {  	[smem:$0x3FB2] =	sst s0;
	s0 =	simm.s32 @!p1 $0x0  }
0x14: {  	s2 =	sld [smem:$0x3F96];
	s0 =	simm.s32 @p1 $0x1  }
0x15: {  	[smem:$0x3FB3] =	sst s0;
	s0 =	simm.s32 @!p2 $0x0  }
0x16: {  	s3 =	sld [smem:$0x3FDB];
	s0 =	simm.s32 @p2 $0x1  }
0x17: {  	s4 =	simm.s32 $0x1BF5;
	[smem:$0x3FB5] =	sst s0  }
0x18: {  	s0 =	sld [smem:$0x3F98];
	_ =	swait.ge [sflag:s4], $0x0  }
0x19: {  	s7 =	sld [smem:$0x3F99]  }
0x1a: {  	s8 =	sadd.s32 $0xFFFFE003, lr  }
0x1b: {  	s9 =	sadd.s32 $0xFFFFFEF7, lr;
	s5 =	simm.s32 $0xFFFFFFFF;
	p2 =	slt.u32 s8, $0xFFFFF086  }
0x1c: {  	p1 =	slt.u32 s9, $0xF7A;
	s5 =	simm.s32 @!p2 $0x0  }
0x1d: {  	s5 =	simm.s32 @p1 $0x1;
	p0 =	seq.s32 s7, s2  }
0x1e: {  	s7 =	smul.u32 @!p0 $0xF7A, s2;
	p2 =	seq.s32 @!p0 s5, $0x0  }
0x1f: {  	s9 =	smul.u32 $0xF7A, s1;
	s8 =	simm.s32 @!p0 $0x1BF5;
	p2 =	por !p2, p0  }
0x20: {  	[sflag:s8] =	ssyncset.s32 @!p0 $0xFFFFF086;
	s6 =	sadd.s32 @!p0 s3, s7;
	s7 =	simm.s32 @!p0 $0x108  }
0x21: {  	s3 =	sadd.s32 s3, s9;
	s6 =	sadd.s32 @!p0 $0x88, s6;
	s7 =	simm.s32 @p2 $0x1082  }
0x22: {  	[simem:s7], [sflag:s8] =	dma.local @!p0 [hbm:s6], $0xF7A  }
0x23: {  	s9 =	sor.u32 $0xD0000000, s2;
	s6 =	simm.s32 $0x108;
	_ =	swait.ge @!p0 [sflag:s8], $0x0  }
0x24: {  	s3 =	sadd.s32 $0x88, s3;
	s6 =	simm.s32 @!p1 $0x1082;
	[sflag:s4] =	ssyncset.s32 $0xFFFFF086  }
0x25: {  	[simem:s6], [sflag:s4] =	dma.local [hbm:s3], $0xF7A  }
0x26: {  	[smem:$0x3F99] =	sst s1;
	(tag) =	ssettag s2;
	_ =	strace s9  }
0x27: {  	s1 =	sld [smem:$0x3FA9]  }
0x28: {  	s2 =	sld [smem:$0x3FAA]  }
0x29: {  	s4 =	sld [smem:$0x3FAC]  }
0x2a: {  	p0 =	seq.s32 s5, $0x0;
	s5 =	sld [smem:$0x3FAD]  }
0x2b: {  	s6 =	sld [smem:$0x3FAE]  }
0x2c: {  	s7 =	sld [smem:$0x3FAF]  }
0x2d: {  	s3 =	simm.s32 $0x108;
	s8 =	sld [smem:$0x3FB0]  }
0x2e: {  	s3 =	simm.s32 @!p0 $0x1082;
	s9 =	sld [smem:$0x3FB1]  }
0x2f: {  	lr =	sadd.s32 s0, s3;
	s0 =	sld [smem:$0x3FA8]  }
0x30: {  	s3 =	sld [smem:$0x3FAB]  }
0x31: {  	[smem:$0x3FB4] =	sst s10  }
0x32: {  	s10 =	sld [smem:$0x3FB2];
	_ =	sdelay $0x3  }
0x33: {  	p0 =	seq.s32 s10, $0x1;
	s10 =	sld [smem:$0x3FB4];
	_ =	sdelay $0x3  }
0x34: {  	[smem:$0x3FB4] =	sst s10  }
0x35: {  	s10 =	sld [smem:$0x3FB3];
	_ =	sdelay $0x3  }
0x36: {  	p1 =	seq.s32 s10, $0x1;
	s10 =	sld [smem:$0x3FB4];
	_ =	sdelay $0x3  }
0x37: {  	[smem:$0x3FB4] =	sst s10  }
0x38: {  	s10 =	sld [smem:$0x3FB5]  }
0x39: {  	_ = 	snop;
	(pc) =	sbr.ind lr, $3  }
0x3a: {  	_ = 	snop  }
0x3b: {  	_ = 	snop  }
0x3c: {  	p2 =	seq.s32 s10, $0x1;
	s10 =	sld [smem:$0x3FB4]  }
0x3d: {  	_ =	shalt  }
0x3e: {  	_ =	shalt  }
0x3f: {  	_ =	shalt  }
0x40: {  	_ =	shalt  }
0x41: {  	_ =	shalt  }
0x42: {  	_ =	shalt  }
0x43: {  	_ =	shalt  }
0x44: {  	_ =	shalt  }
0x45: {  	_ =	shalt  }
0x46: {  	_ =	shalt  }
0x47: {  	_ =	shalt  }
0x48: {  	_ =	shalt  }
0x49: {  	_ =	shalt  }
0x4a: {  	_ =	shalt  }
0x4b: {  	_ =	shalt  }
0x4c: {  	_ =	shalt  }
0x4d: {  	_ =	shalt  }
0x4e: {  	_ =	shalt  }
0x4f: {  	_ =	shalt  }
0x50: {  	_ =	shalt  }
0x51: {  	_ =	shalt  }
0x52: {  	_ =	shalt  }
0x53: {  	_ =	shalt  }
0x54: {  	_ =	shalt  }
0x55: {  	_ =	shalt  }
0x56: {  	_ =	shalt  }
0x57: {  	_ =	shalt  }
0x58: {  	_ =	shalt  }
0x59: {  	_ =	shalt  }
0x5a: {  	_ =	shalt  }
0x5b: {  	_ =	shalt  }
0x5c: {  	_ =	shalt  }
0x5d: {  	_ =	shalt  }
0x5e: {  	_ =	shalt  }
0x5f: {  	_ =	shalt  }
0x60: {  	_ =	shalt  }
0x61: {  	_ =	shalt  }
0x62: {  	_ =	shalt  }
0x63: {  	_ =	shalt  }
0x64: {  	_ =	shalt  }
0x65: {  	_ =	shalt  }
0x66: {  	_ =	shalt  }
0x67: {  	_ =	shalt  }
0x68: {  	_ =	shalt  }
0x69: {  	_ =	shalt  }
0x6a: {  	_ =	shalt  }
0x6b: {  	_ =	shalt  }
0x6c: {  	_ =	shalt  }
0x6d: {  	_ =	shalt  }
0x6e: {  	_ =	shalt  }
0x6f: {  	_ =	shalt  }
0x70: {  	_ =	shalt  }
0x71: {  	_ =	shalt  }
0x72: {  	_ =	shalt  }
0x73: {  	_ =	shalt  }
0x74: {  	_ =	shalt  }
0x75: {  	_ =	shalt  }
0x76: {  	_ =	shalt  }
0x77: {  	_ =	shalt  }
0x78: {  	_ =	shalt  }
0x79: {  	_ =	shalt  }
0x7a: {  	_ =	shalt  }
0x7b: {  	_ =	shalt  }
0x7c: {  	_ =	shalt  }
0x7d: {  	_ =	shalt  }
0x7e: {  	_ =	shalt  }
0x7f: {  	_ =	shalt  }
0x80: {  	_ =	shalt  }
0x81: {  	_ =	shalt  }
0x82: {  	_ =	shalt  }
0x83: {  	_ =	shalt  }
0x84: {  	_ =	shalt  }
0x85: {  	_ =	shalt  }
0x86: {  	_ =	shalt  }
0x87: {  	_ =	shalt  }
.Lfunc_end0:
.L_simem_size_0:
called_computation_lowered:
.L_overlay_start_0:
0x88: {  	s2 =	sld [smem:$0x3FD9]  }
0x89: {  	s3 =	sld [smem:$0x3FFE];
	_ =	sdelay $0x1  }
0x8a: {  	s1 =	srdreg.scid  }
0x8b: {  	s0 =	sand.u32 $0x1, s1  }
0x8c: {  	s17 =	sshll.u32 s0, $0xA;
	s2 =	sadd.s32 s3, s2  }
0x8d: {  	s2 =	sadd.s32 s2, s17  }
0x8e: {  	[smem:$0x3FC0] =	sst s2  }
0x8f: {  	_ = 	snop  }
0x90: {  	s2 =	sld [smem:$0x3FC9]  }
0x91: {  	s18 =	sld [smem:$0x3FD0];
	(tm) =	ssettm $0x1  }
0x92: {  	s4 =	sld [smem:$0x3FFB];
	_ =	sdelay $0x3  }
0x93: {  	_ =	strace s4  }
0x94: {  	s4 =	sld [smem:$0x3FFC];
	_ =	sdelay $0x3  }
0x95: {  	_ =	strace s4  }
0x96: {  	s4 =	sld [smem:$0x3FFD];
	_ =	sdelay $0x3  }
0x97: {  	_ =	strace s4  }
0x98: {  	_ =	strace $0x8FFFFFFF  }
0x99: {  	s19 =	sld [smem:$0x3FDB];
	_ =	sdelay $0x1  }
0x9a: {  	s5 =	simm.s32 $_scs_section_size  }
0x9b: {  	s6 =	simm.s32 $_size__tile_overlayer_lowered;
	s7 =	simm.s32 $_tile_overlayer_lowered  }
0x9c: {  	s22 =	simm.s32 $0x1BFF;
	s21 =	sshll.u32 s7, $0x1;
	s4 =	sadd.s32 s5, s19  }
0x9d: {  	s8 =	simm.s32 $0x0;
	s20 =	sshll.u32 s6, $0x1;
	s6 =	sadd.s32 s21, s4  }
0x9e: {  	[timem:s8], [sflag:s22] =	dma.local [hbm:s6], s20  }
0x9f: {  	_ =	swait.ge [sflag:s22], s20  }
0xa0: {  	s5 =	ssub.s32 $0x0, s20;
	[sflag:s22] =	ssyncset.done $0x0  }
0xa1: {  	[sflag:s22] =	ssyncadd.s32 s5;
	_ =	sdelay $0x1  }
0xa2: {  	s23 =	simm.s32 $0x1B8B  }
0xa3: {  	_ =	swait.ge [sflag:s23], $0x1  }
0xa4: {  	[sflag:s23] =	ssyncset.done $0x0  }
0xa5: {  	s25 =	simm.s32 $0x1B8E;
	s24 =	sld [smem:$0x3FFE];
	[sflag:s23] =	ssyncadd.s32 $0xFFFFFFFF  }
0xa6: {  	s26 =	simm.s32 $execute0_lowered;
	[smem:$0x3FD2] =	sst s25  }
0xa7: {  	s6 =	sshll.u32 s26, $0x1;
	_ =	strace $0x80000046;
	[dreg:$0x1] =	wrdreg $0xFFFFFFFF  }
0xa8: {  	s28 =	simm.s32 $_size_execute0_lowered;
	s4 =	sadd.s32 s4, s6;
	[dreg:$0x0] =	wrdreg $0x0  }
0xa9: {  	s6 =	sshll.u32 s28, $0x1;
	[dreg:$0x2] =	wrdreg s4  }
0xaa: {  	[dreg:$0x3] =	wrdreg s6  }
0xab: {  	[dreg:$0x4] =	wrdreg $0xC0  }
0xac: {  	_ =	task [dreg:s8], $0x5FFFF  }
0xad: {  	[dreg:$0x1] =	wrdreg $0xFFFFFFFF  }
0xae: {  	[dreg:$0x0] =	wrdreg $0x60  }
0xaf: {  	[dreg:$0x2] =	wrdreg s2  }
0xb0: {  	[dreg:$0x3] =	wrdreg s24  }
0xb1: {  	[dreg:$0x4] =	wrdreg s18  }
0xb2: {  	[dreg:$0x5] =	wrdreg $0x0  }
0xb3: {  	[dreg:$0x6] =	wrdreg $0x1E9000  }
0xb4: {  	[dreg:$0x7] =	wrdreg $0x9  }
0xb5: {  	_ =	task.clear_ibuf [dreg:s8], $0x8FFFF;
	_ =	strace $0x90000046  }
0xb6: {  	s29 =	simm.s32 $0x9;
	_ =	strace $0x80000048  }
0xb7: {  	_ =	swait.ge [sflag:s29], $0x1  }
0xb8: {  	[sflag:s29] =	ssyncadd.s32 $0xFFFFFFFF  }
0xb9: {  	_ =	strace $0x90000048  }
0xba: {  	_ =	sfence  }
0xbb: {  	s30 =	sld [smem:$0x0];
	_ =	sdelay $0x2  }
0xbc: {  	s31 =	sshll.u32 s1, $0xD;
	s1 =	sshrl.u32 s1, $0x2  }
0xbd: {  	s3 =	sand.u32 $0x4000, s31;
	s1 =	sadd.s32 s1, s30  }
0xbe: {  	s0 =	sor.u32 s3, s0;
	s1 =	sshll.u32 s1, $0x11  }
0xbf: {  	s0 =	sor.u32 s1, s0  }
0xc0: {  	s0 =	sadd.s32 $0x8F2B, s0  }
0xc1: {  	[sflag:s0] =	ssyncadd.remote.s32 $0x1  }
0xc2: {  	_ =	sfence.sel $0xFFFF  }
0xc3: {  	[dreg:$0x0] =	wrdreg $0xFFFFFFFF;
	(pc) =	sbr.abs _section_cstart, $3  }
0xc4: {  	[dreg:$0x1] =	wrdreg $0xFFFFFFFF  }
0xc5: {  	_ =	task.clear_ibuf [dreg:s8], $0x2FFFF;
	_ =	strace $0x9FFFFFFF  }
0xc6: {  	(tm) =	ssettm $0x7FFFFFFF  }
0xc7: {  	_ =	shalt  }
tec
execute0_lowered:
.L_overlay_start_1:
0x0: {  	(tag) =	ssettag $0x1  }
0x1: {  	s0 =	rddreg [dreg:$0x0]  }
0x2: {  	s1 =	rddreg [dreg:$0x1]  }
0x3: {  	s2 =	srdreg.scid;
	s7 =	rddreg [dreg:$0x2]  }
0x4: {  	s3 =	rddreg [dreg:$0x3];
	s16 =	stileid.u32  }
0x5: {  	s4 =	rddreg [dreg:$0x4];
	s28 =	simm.s32 $0x16900;
	s29 =	simm.s32 $0x1A900  }
0x6: {  	s30 =	simm.s32 $0x1;
	s31 =	simm.s32 $0x3;
	s11 =	smul.u32 $0x14000, s16  }
0x7: {  	s2 =	sand.u32 $0x1, s2;
	s6 =	sadd.s32 $0xC200, s1;
	s13 =	smul.u32 $0x50000, s16  }
0x8: {  	s12 =	sadd.s32 $0x16600, s1;
	s14 =	sadd.s32 $0x16400, s1;
	s19 =	smul.u32 $0xA00, s16  }
0x9: {  	s20 =	sshll.u32 s16, $0x7;
	s22 =	sshll.u32 s16, $0x6;
	s24 =	smul.u32 $0x500, s16  }
0xa: {  	s5 =	sshll.u32 s2, $0x4;
	s10 =	smul.u32 $0x140000, s2;
	s15 =	ssub.s32 $0x2, s2  }
0xb: {  	s2 =	sshll.u32 s2, $0x7;
	s8 =	sor.u32 s16, s5;
	s5 =	simm.s32 $0x0  }
0xc: {  	s17 =	sshrl.u32 s15, $0x1;
	s18 =	sshrl.u32 s13, $0x2;
	s2 =	sor.u32 s2, s24  }
0xd: {  	s24 =	simm.s32 $0x16800;
	s9 =	smul.u32 $0x500, s8;
	[smem:$0x7FF] =	sst s5  }
0xe: {  	s10 =	sadd.s32 s11, s10;
	s11 =	ssub.s32 s15, s17;
	s8 =	sshrl.u32 s8, $0x3  }
0xf: {  	s13 =	sadd.s32 s18, s3;
	s15 =	sand.u32 $0x380, s20;
	s25 =	sshrl.u32 s2, $0x3  }
0x10: {  	s2 =	simm.s32 $0x2;
	_ =	strace $0x80000047;
	[dreg:$0x6] =	wrdreg s12  }
0x11: {  	[dreg:$0x7] =	wrdreg s14;
	s10 =	sshrl.u32 s10, $0x3;
	s14 =	sadd.s32 $0x16200, s1  }
0x12: {  	s8 =	smul.u32 $0x14000, s8;
	s12 =	sshrl.u32 s19, $0x2;
	s16 =	smax.u32 s11, $0x1  }
0x13: {  	s19 =	sshrl.u32 s13, $0x3;
	s9 =	sadd.s32 s9, s1;
	[dreg:$0x8] =	wrdreg s14  }
0x14: {  	s1 =	sadd.s32 s10, s1;
	s10 =	sor.u32 $0x1C06, s22;
	s21 =	sadd.s32 s12, s4  }
0x15: {  	s22 =	simm.s32 $0x1EB80;
	s18 =	sor.u32 s15, s8;
	s9 =	sadd.s32 $0x2200, s9  }
0x16: {  	s8 =	sor.u32 s8, s20;
	s1 =	sadd.s32 $0x18E00, s1;
	s20 =	simm.s32 $0x6  }
0x17: {  	s21 =	sshrl.u32 s21, $0x3;
	[dreg:$0x9] =	wrdreg s9;
	s23 =	sshrl.u32 s18, $0x3  }
0x18: {  	s8 =	sor.u32 $0xC00, s8;
	[dreg:$0xc] =	wrdreg s1;
	s1 =	sadd.s32 s7, s25  }
0x19: {  	s18 =	sor.u32 $0x800, s18;
	s25 =	simm.s32 $0x16880;
	s7 =	simm.s32 $0x16780  }
0x1a: {  	s9 =	sadd.s32 s6, s23;
	s26 =	sshrl.u32 s8, $0x3;
	[dreg:$0xd] =	wrdreg s1  }
0x1b: {  	s1 =	simm.s32 $0x4;
	s23 =	simm.s32 $0x16700;
	s8 =	simm.s32 $0x5  }
0x1c: {  	[dreg:$0xa] =	wrdreg s9;
	s9 =	sadd.s32 $0x80, s9;
	s17 =	sadd.s32 s26, s6  }
0x1d: {  	s26 =	simm.s32 $0x80;
	[dreg:$0xb] =	wrdreg s9;
	s9 =	simm.s32 $0x0  }
.LBB2_1:
0x1e: {  	s11 =	rddreg [dreg:$0x6]  }
0x1f: {  	[spmem:s19], [sflag:s10] =	dma.local [hbm:s11], $0x2800  }
0x20: {  	_ =	swait.ge [sflag:s20], $0x2800  }
0x21: {  	[sflag:s20] =	ssyncset.done $0x0  }
0x22: {  	s15 =	rddreg [dreg:$0x7];
	[sflag:s20] =	ssyncadd.s32 $0xFFFFD800  }
0x23: {  	[spmem:s21], [sflag:s10] =	dma.local [hbm:s15], $0x50  }
0x24: {  	_ =	swait.ge [sflag:s20], $0x50  }
0x25: {  	[sflag:s20] =	ssyncset.done $0x0  }
0x26: {  	s12 =	rddreg [dreg:$0x8];
	[sflag:s20] =	ssyncadd.s32 $0xFFFFFFB0  }
0x27: {  	[tilespmem:s22], [sflag:$0x6] =	stream.linear.gather [hbm4b:s12+s5], $0x80, $0x38;
	[tilespmem:$0x1EC00] =	vst v63  }
0x28: {  	_ =	swait.ge [sflag:s20], $0x80  }
0x29: {  	[sflag:s20] =	ssyncset.done $0x0  }
0x2a: {  	s12 =	simm.s32 $0x14000;
	s13 =	rddreg [dreg:$0x9];
	[sflag:s20] =	ssyncadd.s32 $0xFFFFFF80  }
0x2b: {  	[tilespmem:s12], [sflag:$0x6] =	stream.linear.gather [hbm4b:s13+s5], $0x2800, $0x38;
	[tilespmem:$0x1EC00] =	vst v63  }
0x2c: {  	_ =	swait.ge [sflag:s20], $0x2800  }
0x2d: {  	[sflag:s20] =	ssyncset.done $0x0  }
0x2e: {  	[sflag:s20] =	ssyncadd.s32 $0xFFFFD800  }
0x2f: {  	[bflag:$0x0] =	sbarrier.arrive $0xFFFF  }
0x30: {  	s14 =	rddreg [dreg:$0xa]  }
0x31: {  	[tilespmem:s24], [sflag:$0x6] =	stream.linear.gather [hbm4b:s14+s5], $0x80, $0x38;
	[tilespmem:$0x1EC00] =	vst v63  }
0x32: {  	_ =	swait.ge [sflag:s20], $0x80  }
0x33: {  	[sflag:s20] =	ssyncset.done $0x0  }
0x34: {  	s15 =	rddreg [dreg:$0xb];
	[sflag:s20] =	ssyncadd.s32 $0xFFFFFF80  }
0x35: {  	[tilespmem:s25], [sflag:$0x6] =	stream.linear.gather [hbm4b:s15+s5], $0x80, $0x38;
	[tilespmem:$0x1EC00] =	vst v63  }
0x36: {  	_ =	swait.ge [sflag:s20], $0x80  }
0x37: {  	[sflag:s20] =	ssyncset.done $0x0  }
0x38: {  	[sflag:s20] =	ssyncadd.s32 $0xFFFFFF80  }
0x39: {  	[tilespmem:s28], [sflag:$0x1] =	stream.indirect.gather [hbm4b:s0+s26], $0x80, s24, s26, $0xb8;
	[tilespmem:$0x1EC00] =	vst v63  }
0x3a: {  	_ = 	snop  }
0x3b: {  	[tilespmem:s29], [sflag:$0x2] =	stream.indirect.gather [hbm4b:s0+s26], $0x80, s25, s26, $0xb8;
	[tilespmem:$0x1EC00] =	vst v63  }
0x3c: {  	_ =	swait.ge [sflag:s30], $0x4000  }
0x3d: {  	s12 =	sshrl.u32 s18, $0x3;
	[sflag:s30] =	ssyncset.done $0x0  }
0x3e: {  	s11 =	sadd.s32 s6, s12;
	[sflag:s30] =	ssyncadd.s32 $0xFFFFC000  }
0x3f: {  	[tilespmem:s24], [sflag:$0x3] =	stream.linear.gather [hbm4b:s11+s5], $0x80, $0x38;
	[tilespmem:$0x1EC00] =	vst v63  }
0x40: {  	s13 =	simm.s32 $0x14000  }
0x41: {  	[spmem:s3] =	stream.indirect.scatter.add.f32 [tilespmem:s28], [sflag:$0x6], $0x80, s13, s26, $0xb8;
	[tilespmem:$0x1EC00] =	vst v63  }
0x42: {  	_ =	swait.ge [sflag:s20], $0x4000  }
0x43: {  	[sflag:s20] =	ssyncset.done $0x0  }
0x44: {  	[sflag:s20] =	ssyncadd.s32 $0xFFFFC000  }
0x45: {  	[spmem:s4] =	stream.indirect.scatter.add.f32 [tilespmem:s22], [sflag:$0x5], $0x1, s13, s26, $0xb8;
	[tilespmem:$0x1EC00] =	vst v63  }
0x46: {  	_ =	swait.ge [sflag:s31], $0x80  }
0x47: {  	[sflag:s31] =	ssyncset.done $0x0  }
0x48: {  	[sflag:s31] =	ssyncadd.s32 $0xFFFFFF80  }
0x49: {  	[tilespmem:s28], [sflag:$0x1] =	stream.indirect.gather [hbm4b:s0+s26], $0x80, s24, s26, $0xb8;
	[tilespmem:$0x1EC00] =	vst v63  }
0x4a: {  	_ =	swait.ge [sflag:s2], $0x4000  }
0x4b: {  	[sflag:s2] =	ssyncset.done $0x0  }
0x4c: {  	s14 =	sadd.s32 $0x0, s17;
	[sflag:s2] =	ssyncadd.s32 $0xFFFFC000  }
0x4d: {  	[tilespmem:s25], [sflag:$0x4] =	stream.linear.gather [hbm4b:s14+s5], $0x80, $0x38;
	[tilespmem:$0x1EC00] =	vst v63  }
0x4e: {  	s15 =	simm.s32 $0x14080  }
0x4f: {  	[spmem:s3] =	stream.indirect.scatter.add.f32 [tilespmem:s29], [sflag:$0x6], $0x80, s15, s26, $0xb8;
	[tilespmem:$0x1EC00] =	vst v63  }
0x50: {  	_ =	swait.ge [sflag:s20], $0x4000  }
0x51: {  	[sflag:s20] =	ssyncset.done $0x0  }
0x52: {  	[sflag:s20] =	ssyncadd.s32 $0xFFFFC000  }
0x53: {  	[spmem:s4] =	stream.indirect.scatter.add.f32 [tilespmem:s22], [sflag:$0x5], $0x1, s15, s26, $0xb8;
	[tilespmem:$0x1EC00] =	vst v63  }
0x54: {  	_ =	swait.ge [sflag:s1], $0x80  }
0x55: {  	s11 =	simm.s32 $0x100;
	[sflag:s1] =	ssyncset.done $0x0  }
0x56: {  	s13 =	simm.s32 $0x14180;
	s14 =	sadd.s32 $0x800, s18;
	[sflag:s1] =	ssyncadd.s32 $0xFFFFFF80  }
.LBB2_2:
0x57: {  	[tilespmem:s29], [sflag:$0x2] =	stream.indirect.gather [hbm4b:s0+s26], $0x80, s25, s26, $0xb8;
	[tilespmem:$0x1EC00] =	vst v63  }
0x58: {  	s12 =	smov.u32 s11  }
0x59: {  	p0 =	sne.s32 s11, $0x2600;
	s11 =	sadd.s32 $0x100, s11;
	_ =	swait.ge [sflag:s30], $0x4000  }
0x5a: {  	s15 =	sshrl.u32 s14, $0x3;
	[sflag:s30] =	ssyncset.done $0x0  }
0x5b: {  	s15 =	sadd.s32 s6, s15;
	[sflag:s30] =	ssyncadd.s32 $0xFFFFC000  }
0x5c: {  	[tilespmem:s24], [sflag:$0x3] =	stream.linear.gather [hbm4b:s15+s5], $0x80, $0x38;
	[tilespmem:$0x1EC00] =	vst v63  }
0x5d: {  	s15 =	sadd.s32 $0xFFFFFF80, s13  }
0x5e: {  	[spmem:s3] =	stream.indirect.scatter.add.f32 [tilespmem:s28], [sflag:$0x6], $0x80, s15, s26, $0xb8;
	[tilespmem:$0x1EC00] =	vst v63  }
0x5f: {  	_ =	swait.ge [sflag:s20], $0x4000  }
0x60: {  	[sflag:s20] =	ssyncset.done $0x0  }
0x61: {  	[sflag:s20] =	ssyncadd.s32 $0xFFFFC000  }
0x62: {  	[spmem:s4] =	stream.indirect.scatter.add.f32 [tilespmem:s22], [sflag:$0x5], $0x1, s15, s26, $0xb8;
	[tilespmem:$0x1EC00] =	vst v63  }
0x63: {  	_ =	swait.ge [sflag:s31], $0x80  }
0x64: {  	[sflag:s31] =	ssyncset.done $0x0  }
0x65: {  	[sflag:s31] =	ssyncadd.s32 $0xFFFFFF80  }
0x66: {  	[tilespmem:s28], [sflag:$0x1] =	stream.indirect.gather [hbm4b:s0+s26], $0x80, s24, s26, $0xb8;
	[tilespmem:$0x1EC00] =	vst v63  }
0x67: {  	_ =	swait.ge [sflag:s2], $0x4000  }
0x68: {  	[sflag:s2] =	ssyncset.done $0x0  }
0x69: {  	s12 =	sadd.s32 s12, s17;
	[sflag:s2] =	ssyncadd.s32 $0xFFFFC000  }
0x6a: {  	[tilespmem:s25], [sflag:$0x4] =	stream.linear.gather [hbm4b:s12+s5], $0x80, $0x38;
	[tilespmem:$0x1EC00] =	vst v63  }
0x6b: {  	_ = 	snop  }
0x6c: {  	[spmem:s3] =	stream.indirect.scatter.add.f32 [tilespmem:s29], [sflag:$0x6], $0x80, s13, s26, $0xb8;
	[tilespmem:$0x1EC00] =	vst v63  }
0x6d: {  	_ =	swait.ge [sflag:s20], $0x4000  }
0x6e: {  	[sflag:s20] =	ssyncset.done $0x0  }
.Ltmp0:
0x6f: {  	[sflag:s20] =	ssyncadd.s32 $0xFFFFC000;
	(pc) =	sbr.rel @p0 .LBB2_2-.Ltmp0, $4  }
0x70: {  	[spmem:s4] =	stream.indirect.scatter.add.f32 [tilespmem:s22], [sflag:$0x5], $0x1, s13, s26, $0xb8;
	[tilespmem:$0x1EC00] =	vst v63  }
0x71: {  	_ =	swait.ge [sflag:s1], $0x80  }
0x72: {  	[sflag:s1] =	ssyncset.done $0x0  }
0x73: {  	s14 =	sadd.s32 $0x800, s14;
	s13 =	sadd.s32 $0x100, s13;
	[sflag:s1] =	ssyncadd.s32 $0xFFFFFF80  }
0x74: {  	[tilespmem:s29], [sflag:$0x2] =	stream.indirect.gather [hbm4b:s0+s26], $0x80, s25, s26, $0xb8;
	[tilespmem:$0x1EC00] =	vst v63  }
0x75: {  	_ =	swait.ge [sflag:s30], $0x4000  }
0x76: {  	[sflag:s30] =	ssyncset.done $0x0  }
0x77: {  	[sflag:s30] =	ssyncadd.s32 $0xFFFFC000  }
0x78: {  	[spmem:s3] =	stream.indirect.scatter.add.f32 [tilespmem:s28], [sflag:$0x6], $0x80, s23, s26, $0xb8;
	[tilespmem:$0x1EC00] =	vst v63  }
0x79: {  	_ =	swait.ge [sflag:s20], $0x4000  }
0x7a: {  	[sflag:s20] =	ssyncset.done $0x0  }
0x7b: {  	[sflag:s20] =	ssyncadd.s32 $0xFFFFC000  }
0x7c: {  	[spmem:s4] =	stream.indirect.scatter.add.f32 [tilespmem:s22], [sflag:$0x5], $0x1, s23, s26, $0xb8;
	[tilespmem:$0x1EC00] =	vst v63  }
0x7d: {  	_ =	swait.ge [sflag:s2], $0x4000  }
0x7e: {  	[sflag:s2] =	ssyncset.done $0x0  }
0x7f: {  	[sflag:s2] =	ssyncadd.s32 $0xFFFFC000  }
0x80: {  	[spmem:s3] =	stream.indirect.scatter.add.f32 [tilespmem:s29], [sflag:$0x6], $0x80, s7, s26, $0xb8;
	[tilespmem:$0x1EC00] =	vst v63  }
0x81: {  	_ =	swait.ge [sflag:s20], $0x4000  }
0x82: {  	[sflag:s20] =	ssyncset.done $0x0  }
0x83: {  	[sflag:s20] =	ssyncadd.s32 $0xFFFFC000  }
0x84: {  	[spmem:s4] =	stream.indirect.scatter.add.f32 [tilespmem:s22], [sflag:$0x5], $0x1, s7, s26, $0xb8;
	[tilespmem:$0x1EC00] =	vst v63  }
0x85: {  	_ =	swait.ge [sflag:s8], $0x80  }
0x86: {  	s11 =	simm.s32 $0x4F;
	[sflag:s8] =	ssyncset.done $0x0  }
.LBB2_4:
0x87: {  	p0 =	sne.s32 s11, $0x1;
	s11 =	sadd.s32 $0xFFFFFFFF, s11;
	[sflag:s8] =	ssyncadd.s32 $0xFFFFFF80  }
.Ltmp1:
0x88: {  	(pc) =	sbr.rel @p0 .LBB2_4-.Ltmp1, $3  }
0x89: {  	_ =	sdelay $0x1  }
0x8a: {  	_ =	swait.ge [sflag:s8], $0x80  }
0x8b: {  	[sflag:s8] =	ssyncset.done $0x0  }
0x8c: {  	[sflag:s8] =	ssyncadd.s32 $0xFFFFFF80  }
0x8d: {  	[bflag:$0x0] =	sbarrier.arrive $0xFFFF  }
0x8e: {  	s11 =	rddreg [dreg:$0xc]  }
0x8f: {  	[hbm:s11], [sflag:s10] =	dma.local [spmem:s19], $0x2800  }
0x90: {  	s12 =	simm.s32 $0x20;
	s9 =	sadd.s32 $0x1, s9;
	_ =	swait.ge [sflag:s20], $0x2800  }
0x91: {  	s13 =	simm.s32 $0x10;
	p0 =	sne.s32 s9, s16;
	[sflag:s20] =	ssyncset.done $0x0  }
.Ltmp2:
0x92: {  	s15 =	rddreg [dreg:$0xd];
	[sflag:s20] =	ssyncadd.s32 $0xFFFFD800;
	(pc) =	sbr.rel @p0 .LBB2_1-.Ltmp2, $4  }
0x93: {  	[hbm:s15@s12], [sflag:s10] =	dma.strided [spmem:s21@s13], $0x50, s30, $0x10   }
0x94: {  	_ =	swait.ge [sflag:s20], $0x50  }
0x95: {  	[sflag:s20] =	ssyncset.done $0x0  }
0x96: {  	[sflag:s20] =	ssyncadd.s32 $0xFFFFFFB0  }
0x97: {  	_ =	sfence.sel $0x180000  }
0x98: {  	[bflag:$0x0] =	sbarrier.arrive $0xFFFF  }
0x99: {  	_ =	strace $0x90000047  }
0x9a: {  	s0 =	stileid.u32;
	[bflag:$0x2] =	sbarrier.arrive $0xFFFF  }
0x9b: {  	p0 =	sne.s32 s0, $0x0;
	s0 =	rddreg [dreg:$0x5]  }
0x9c: {  	s0 =	sadd.s32 @!p0 $0x100000, s0  }
0x9d: {  	[sflag:s0] =	ssyncadd.tile.s32 @!p0 $0x1;
	_ =	shalt  }
.Lfunc_end2:
_tile_overlayer_lowered:
.L_overlay_start_2:
0x9e: {  	(tag) =	ssettag $0x2  }
0x9f: {  	s0 =	rddreg [dreg:$0x0];
	s2 =	stileid.u32  }
0xa0: {  	s1 =	rddreg [dreg:$0x1];
	p0 =	sne.s32 s2, $0x0  }
0xa1: {  	s3 =	rddreg [dreg:$0x2];
	[bflag:$0x3] =	sbarrier.arrive $0xFFFF;
	s2 =	simm.s32 @!p0 $0x1C06  }
0xa2: {  	[timem:s3], [sflag:s2] =	dma.local @!p0 [hbm:s0], s1  }
0xa3: {  	s0 =	simm.s32 @!p0 $0x6  }
0xa4: {  	_ =	swait.ge @!p0 [sflag:s0], s1  }
0xa5: {  	s1 =	ssub.s32 @!p0 $0x0, s1;
	[sflag:s0] =	ssyncset.done @!p0 $0x0  }
0xa6: {  	[sflag:s0] =	ssyncadd.s32 @!p0 s1  }
0xa7: {  	[bflag:$0x3] =	sbarrier.arrive $0xFFFF  }
0xa8: {  	_ =	shalt  }

// kernel: kernel.9.cloned.1.call-start
scs
__scs_entry_jumppad:
0x0: {  	(pc) =	sbr.rel $0x88, $3  }
0x1: {  	(tag) =	ssettag $0x0;
	lr =	simm.s32 $0x1  }
0x2: {  	[smem:$0x3F99] =	sst lr;
	_ =	strace $0xD0000000  }
0x3: {  	_ = 	snop  }
0x4: {  	_ = 	snop  }
0x5: {  	_ = 	snop  }
0x6: {  	_ = 	snop  }
0x7: {  	_ = 	snop  }
__scs_overlays_trampoline_lowered:
0x8: {  	[smem:$0x3FA8] =	sst s0  }
0x9: {  	[smem:$0x3FA9] =	sst s1  }
0xa: {  	[smem:$0x3FAA] =	sst s2  }
0xb: {  	[smem:$0x3FAB] =	sst s3  }
0xc: {  	[smem:$0x3FAC] =	sst s4  }
0xd: {  	[smem:$0x3FAD] =	sst s5  }
0xe: {  	[smem:$0x3FAE] =	sst s6  }
0xf: {  	[smem:$0x3FAF] =	sst s7  }
0x10: {  	[smem:$0x3FB0] =	sst s8  }
0x11: {  	[smem:$0x3FB1] =	sst s9;
	s0 =	simm.s32 @!p0 $0x0  }
0x12: {  	s1 =	sld [smem:$0x3F97];
	s0 =	simm.s32 @p0 $0x1  }
0x13: {  	[smem:$0x3FB2] =	sst s0;
	s0 =	simm.s32 @!p1 $0x0  }
0x14: {  	s2 =	sld [smem:$0x3F96];
	s0 =	simm.s32 @p1 $0x1  }
0x15: {  	[smem:$0x3FB3] =	sst s0;
	s0 =	simm.s32 @!p2 $0x0  }
0x16: {  	s3 =	sld [smem:$0x3FDB];
	s0 =	simm.s32 @p2 $0x1  }
0x17: {  	s4 =	simm.s32 $0x1BF5;
	[smem:$0x3FB5] =	sst s0  }
0x18: {  	s0 =	sld [smem:$0x3F98];
	_ =	swait.ge [sflag:s4], $0x0  }
0x19: {  	s7 =	sld [smem:$0x3F99]  }
0x1a: {  	s8 =	sadd.s32 $0xFFFFE003, lr  }
0x1b: {  	s9 =	sadd.s32 $0xFFFFFEF7, lr;
	s5 =	simm.s32 $0xFFFFFFFF;
	p2 =	slt.u32 s8, $0xFFFFF086  }
0x1c: {  	p1 =	slt.u32 s9, $0xF7A;
	s5 =	simm.s32 @!p2 $0x0  }
0x1d: {  	s5 =	simm.s32 @p1 $0x1;
	p0 =	seq.s32 s7, s2  }
0x1e: {  	s7 =	smul.u32 @!p0 $0xF7A, s2;
	p2 =	seq.s32 @!p0 s5, $0x0  }
0x1f: {  	s9 =	smul.u32 $0xF7A, s1;
	s8 =	simm.s32 @!p0 $0x1BF5;
	p2 =	por !p2, p0  }
0x20: {  	[sflag:s8] =	ssyncset.s32 @!p0 $0xFFFFF086;
	s6 =	sadd.s32 @!p0 s3, s7;
	s7 =	simm.s32 @!p0 $0x108  }
0x21: {  	s3 =	sadd.s32 s3, s9;
	s6 =	sadd.s32 @!p0 $0x88, s6;
	s7 =	simm.s32 @p2 $0x1082  }
0x22: {  	[simem:s7], [sflag:s8] =	dma.local @!p0 [hbm:s6], $0xF7A  }
0x23: {  	s9 =	sor.u32 $0xD0000000, s2;
	s6 =	simm.s32 $0x108;
	_ =	swait.ge @!p0 [sflag:s8], $0x0  }
0x24: {  	s3 =	sadd.s32 $0x88, s3;
	s6 =	simm.s32 @!p1 $0x1082;
	[sflag:s4] =	ssyncset.s32 $0xFFFFF086  }
0x25: {  	[simem:s6], [sflag:s4] =	dma.local [hbm:s3], $0xF7A  }
0x26: {  	[smem:$0x3F99] =	sst s1;
	(tag) =	ssettag s2;
	_ =	strace s9  }
0x27: {  	s1 =	sld [smem:$0x3FA9]  }
0x28: {  	s2 =	sld [smem:$0x3FAA]  }
0x29: {  	s4 =	sld [smem:$0x3FAC]  }
0x2a: {  	p0 =	seq.s32 s5, $0x0;
	s5 =	sld [smem:$0x3FAD]  }
0x2b: {  	s6 =	sld [smem:$0x3FAE]  }
0x2c: {  	s7 =	sld [smem:$0x3FAF]  }
0x2d: {  	s3 =	simm.s32 $0x108;
	s8 =	sld [smem:$0x3FB0]  }
0x2e: {  	s3 =	simm.s32 @!p0 $0x1082;
	s9 =	sld [smem:$0x3FB1]  }
0x2f: {  	lr =	sadd.s32 s0, s3;
	s0 =	sld [smem:$0x3FA8]  }
0x30: {  	s3 =	sld [smem:$0x3FAB]  }
0x31: {  	[smem:$0x3FB4] =	sst s10  }
0x32: {  	s10 =	sld [smem:$0x3FB2];
	_ =	sdelay $0x3  }
0x33: {  	p0 =	seq.s32 s10, $0x1;
	s10 =	sld [smem:$0x3FB4];
	_ =	sdelay $0x3  }
0x34: {  	[smem:$0x3FB4] =	sst s10  }
0x35: {  	s10 =	sld [smem:$0x3FB3];
	_ =	sdelay $0x3  }
0x36: {  	p1 =	seq.s32 s10, $0x1;
	s10 =	sld [smem:$0x3FB4];
	_ =	sdelay $0x3  }
0x37: {  	[smem:$0x3FB4] =	sst s10  }
0x38: {  	s10 =	sld [smem:$0x3FB5]  }
0x39: {  	_ = 	snop;
	(pc) =	sbr.ind lr, $3  }
0x3a: {  	_ = 	snop  }
0x3b: {  	_ = 	snop  }
0x3c: {  	p2 =	seq.s32 s10, $0x1;
	s10 =	sld [smem:$0x3FB4]  }
0x3d: {  	_ =	shalt  }
0x3e: {  	_ =	shalt  }
0x3f: {  	_ =	shalt  }
0x40: {  	_ =	shalt  }
0x41: {  	_ =	shalt  }
0x42: {  	_ =	shalt  }
0x43: {  	_ =	shalt  }
0x44: {  	_ =	shalt  }
0x45: {  	_ =	shalt  }
0x46: {  	_ =	shalt  }
0x47: {  	_ =	shalt  }
0x48: {  	_ =	shalt  }
0x49: {  	_ =	shalt  }
0x4a: {  	_ =	shalt  }
0x4b: {  	_ =	shalt  }
0x4c: {  	_ =	shalt  }
0x4d: {  	_ =	shalt  }
0x4e: {  	_ =	shalt  }
0x4f: {  	_ =	shalt  }
0x50: {  	_ =	shalt  }
0x51: {  	_ =	shalt  }
0x52: {  	_ =	shalt  }
0x53: {  	_ =	shalt  }
0x54: {  	_ =	shalt  }
0x55: {  	_ =	shalt  }
0x56: {  	_ =	shalt  }
0x57: {  	_ =	shalt  }
0x58: {  	_ =	shalt  }
0x59: {  	_ =	shalt  }
0x5a: {  	_ =	shalt  }
0x5b: {  	_ =	shalt  }
0x5c: {  	_ =	shalt  }
0x5d: {  	_ =	shalt  }
0x5e: {  	_ =	shalt  }
0x5f: {  	_ =	shalt  }
0x60: {  	_ =	shalt  }
0x61: {  	_ =	shalt  }
0x62: {  	_ =	shalt  }
0x63: {  	_ =	shalt  }
0x64: {  	_ =	shalt  }
0x65: {  	_ =	shalt  }
0x66: {  	_ =	shalt  }
0x67: {  	_ =	shalt  }
0x68: {  	_ =	shalt  }
0x69: {  	_ =	shalt  }
0x6a: {  	_ =	shalt  }
0x6b: {  	_ =	shalt  }
0x6c: {  	_ =	shalt  }
0x6d: {  	_ =	shalt  }
0x6e: {  	_ =	shalt  }
0x6f: {  	_ =	shalt  }
0x70: {  	_ =	shalt  }
0x71: {  	_ =	shalt  }
0x72: {  	_ =	shalt  }
0x73: {  	_ =	shalt  }
0x74: {  	_ =	shalt  }
0x75: {  	_ =	shalt  }
0x76: {  	_ =	shalt  }
0x77: {  	_ =	shalt  }
0x78: {  	_ =	shalt  }
0x79: {  	_ =	shalt  }
0x7a: {  	_ =	shalt  }
0x7b: {  	_ =	shalt  }
0x7c: {  	_ =	shalt  }
0x7d: {  	_ =	shalt  }
0x7e: {  	_ =	shalt  }
0x7f: {  	_ =	shalt  }
0x80: {  	_ =	shalt  }
0x81: {  	_ =	shalt  }
0x82: {  	_ =	shalt  }
0x83: {  	_ =	shalt  }
0x84: {  	_ =	shalt  }
0x85: {  	_ =	shalt  }
0x86: {  	_ =	shalt  }
0x87: {  	_ =	shalt  }
.Lfunc_end0:
.L_simem_size_0:
called_computation.1_lowered:
.L_overlay_start_0:
0x88: {  	s2 =	sld [smem:$0x3FD9]  }
0x89: {  	s3 =	sld [smem:$0x3FFE];
	_ =	sdelay $0x1  }
0x8a: {  	s1 =	srdreg.scid  }
0x8b: {  	s0 =	sand.u32 $0x1, s1  }
0x8c: {  	s17 =	sshll.u32 s0, $0xA;
	s2 =	sadd.s32 s3, s2  }
0x8d: {  	s2 =	sadd.s32 s2, s17  }
0x8e: {  	[smem:$0x3FC0] =	sst s2  }
0x8f: {  	_ = 	snop  }
0x90: {  	s2 =	sld [smem:$0x3FD0];
	(tm) =	ssettm $0x1  }
0x91: {  	s18 =	sld [smem:$0x3FFB];
	_ =	sdelay $0x3  }
0x92: {  	_ =	strace s18  }
0x93: {  	s3 =	sld [smem:$0x3FFC];
	_ =	sdelay $0x3  }
0x94: {  	_ =	strace s3  }
0x95: {  	s3 =	sld [smem:$0x3FFD];
	_ =	sdelay $0x3  }
0x96: {  	_ =	strace s3  }
0x97: {  	_ =	strace $0x8FFFFFFF  }
0x98: {  	s19 =	sld [smem:$0x3FDB];
	_ =	sdelay $0x1  }
0x99: {  	s4 =	simm.s32 $_scs_section_size  }
0x9a: {  	s5 =	simm.s32 $_size__tile_overlayer_lowered;
	s6 =	simm.s32 $_tile_overlayer_lowered  }
0x9b: {  	s22 =	simm.s32 $0x1BFF;
	s21 =	sshll.u32 s6, $0x1;
	s3 =	sadd.s32 s4, s19  }
0x9c: {  	s7 =	simm.s32 $0x0;
	s20 =	sshll.u32 s5, $0x1;
	s5 =	sadd.s32 s21, s3  }
0x9d: {  	[timem:s7], [sflag:s22] =	dma.local [hbm:s5], s20  }
0x9e: {  	_ =	swait.ge [sflag:s22], s20  }
0x9f: {  	s4 =	ssub.s32 $0x0, s20;
	[sflag:s22] =	ssyncset.done $0x0  }
0xa0: {  	[sflag:s22] =	ssyncadd.s32 s4;
	_ =	sdelay $0x1  }
0xa1: {  	s23 =	simm.s32 $0x1B8B  }
0xa2: {  	_ =	swait.ge [sflag:s23], $0x1  }
0xa3: {  	[sflag:s23] =	ssyncset.done $0x0  }
0xa4: {  	s25 =	simm.s32 $0x1B8E;
	s24 =	sld [smem:$0x3FFE];
	[sflag:s23] =	ssyncadd.s32 $0xFFFFFFFF  }
0xa5: {  	s26 =	simm.s32 $execute0_lowered;
	[smem:$0x3FD2] =	sst s25  }
0xa6: {  	s5 =	sshll.u32 s26, $0x1;
	_ =	strace $0x80000049;
	[dreg:$0x1] =	wrdreg $0xFFFFFFFF  }
0xa7: {  	s28 =	simm.s32 $_size_execute0_lowered;
	s3 =	sadd.s32 s3, s5;
	[dreg:$0x0] =	wrdreg $0x0  }
0xa8: {  	s5 =	sshll.u32 s28, $0x1;
	[dreg:$0x2] =	wrdreg s3  }
0xa9: {  	[dreg:$0x3] =	wrdreg s5  }
0xaa: {  	[dreg:$0x4] =	wrdreg $0xC0  }
0xab: {  	_ =	task [dreg:s7], $0x5FFFF  }
0xac: {  	[dreg:$0x1] =	wrdreg $0xFFFFFFFF  }
0xad: {  	[dreg:$0x0] =	wrdreg $0x60  }
0xae: {  	[dreg:$0x2] =	wrdreg s2  }
0xaf: {  	[dreg:$0x3] =	wrdreg s24  }
0xb0: {  	[dreg:$0x4] =	wrdreg $0x0  }
0xb1: {  	[dreg:$0x5] =	wrdreg $0x9  }
0xb2: {  	_ =	task.clear_ibuf [dreg:s7], $0x6FFFF;
	_ =	strace $0x90000049  }
0xb3: {  	s29 =	simm.s32 $0x9;
	_ =	strace $0x8000004B  }
0xb4: {  	_ =	swait.ge [sflag:s29], $0x1  }
0xb5: {  	[sflag:s29] =	ssyncadd.s32 $0xFFFFFFFF  }
0xb6: {  	_ =	strace $0x9000004B  }
0xb7: {  	_ =	sfence  }
0xb8: {  	s30 =	sld [smem:$0x0];
	_ =	sdelay $0x2  }
0xb9: {  	s31 =	sshll.u32 s1, $0xD;
	s1 =	sshrl.u32 s1, $0x2  }
0xba: {  	s3 =	sand.u32 $0x4000, s31;
	s1 =	sadd.s32 s1, s30  }
0xbb: {  	s0 =	sor.u32 s3, s0;
	s1 =	sshll.u32 s1, $0x11  }
0xbc: {  	s0 =	sor.u32 s1, s0  }
0xbd: {  	s0 =	sadd.s32 $0x8F2B, s0  }
0xbe: {  	[sflag:s0] =	ssyncadd.remote.s32 $0x1  }
0xbf: {  	_ =	sfence.sel $0xFFFF  }
0xc0: {  	[dreg:$0x0] =	wrdreg $0xFFFFFFFF;
	(pc) =	sbr.abs _section_cstart, $3  }
0xc1: {  	[dreg:$0x1] =	wrdreg $0xFFFFFFFF  }
0xc2: {  	_ =	task.clear_ibuf [dreg:s7], $0x2FFFF;
	_ =	strace $0x9FFFFFFF  }
0xc3: {  	(tm) =	ssettm $0x7FFFFFFF  }
tec
execute0_lowered:
.L_overlay_start_1:
0x0: {  	(tag) =	ssettag $0x1  }
0x1: {  	s1 =	rddreg [dreg:$0x0]  }
0x2: {  	s0 =	srdreg.scid;
	s2 =	rddreg [dreg:$0x1]  }
0x3: {  	s12 =	stileid.u32;
	s3 =	rddreg [dreg:$0x2];
	s4 =	simm.s32 $0x0  }
0x4: {  	s16 =	simm.s32 $0x5;
	s18 =	simm.s32 $0x16800;
	s19 =	simm.s32 $0x16880  }
0x5: {  	s20 =	simm.s32 $0x80;
	s21 =	simm.s32 $0x16900;
	s22 =	simm.s32 $0x1A900  }
0x6: {  	s23 =	simm.s32 $0x1;
	s29 =	simm.s32 $0x16780;
	s30 =	simm.s32 $0x0  }
0x7: {  	s0 =	sand.u32 $0x1, s0;
	s7 =	smul.u32 $0x14000, s12;
	[smem:$0x7FF] =	sst s4  }
0x8: {  	s24 =	smul.u32 $0x50000, s12;
	s11 =	sshll.u32 s12, $0x7;
	s26 =	sshll.u32 s12, $0x6  }
0x9: {  	s5 =	smul.u32 $0x140000, s0;
	s6 =	sshll.u32 s0, $0x4;
	_ =	strace $0x8000004A  }
0xa: {  	s0 =	ssub.s32 $0x2, s0;
	s25 =	sand.u32 $0x380, s11;
	s8 =	sor.u32 s12, s6  }
0xb: {  	s10 =	sshrl.u32 s0, $0x1;
	s6 =	smul.u32 $0x500, s8;
	s7 =	sadd.s32 s7, s5  }
0xc: {  	s5 =	sadd.s32 $0xC200, s2;
	s8 =	sshrl.u32 s8, $0x3;
	s0 =	ssub.s32 s0, s10  }
0xd: {  	s7 =	sshrl.u32 s7, $0x3;
	s8 =	smul.u32 $0x14000, s8;
	s9 =	sadd.s32 s6, s2  }
0xe: {  	s6 =	sadd.s32 $0x16600, s2;
	s2 =	sadd.s32 s7, s2;
	s7 =	sshrl.u32 s24, $0x2  }
0xf: {  	s12 =	smax.u32 s0, $0x1;
	s24 =	simm.s32 $0x3;
	s15 =	sadd.s32 s7, s3  }
0x10: {  	s14 =	sor.u32 s25, s8;
	s7 =	sor.u32 $0x1C05, s26;
	s11 =	sor.u32 s8, s11  }
0x11: {  	s8 =	sadd.s32 $0x2200, s9;
	s25 =	simm.s32 $0x2;
	s26 =	simm.s32 $0x4  }
0x12: {  	s10 =	sshrl.u32 s14, $0x3;
	s28 =	sor.u32 $0xC00, s11;
	s11 =	sadd.s32 $0x18E00, s2  }
0x13: {  	s14 =	sor.u32 $0x800, s14;
	s9 =	sadd.s32 s5, s10;
	s31 =	sshrl.u32 s28, $0x3  }
0x14: {  	s15 =	sshrl.u32 s15, $0x3;
	s10 =	sadd.s32 $0x80, s9;
	s13 =	sadd.s32 s31, s5  }
.LBB2_1:
0x15: {  	[spmem:s15], [sflag:s7] =	dma.local [hbm:s6], $0x2800  }
0x16: {  	_ =	swait.ge [sflag:s16], $0x2800  }
0x17: {  	[sflag:s16] =	ssyncset.done $0x0  }
0x18: {  	s0 =	simm.s32 $0x14000;
	[sflag:s16] =	ssyncadd.s32 $0xFFFFD800  }
0x19: {  	[tilespmem:s0], [sflag:$0x5] =	stream.linear.gather [hbm4b:s8+s4], $0x2800, $0x38;
	[tilespmem:$0x1E900] =	vst v63  }
0x1a: {  	_ =	swait.ge [sflag:s16], $0x2800  }
0x1b: {  	[sflag:s16] =	ssyncset.done $0x0  }
0x1c: {  	[sflag:s16] =	ssyncadd.s32 $0xFFFFD800  }
0x1d: {  	[bflag:$0x0] =	sbarrier.arrive $0xFFFF  }
0x1e: {  	[tilespmem:s18], [sflag:$0x5] =	stream.linear.gather [hbm4b:s9+s4], $0x80, $0x38;
	[tilespmem:$0x1E900] =	vst v63  }
0x1f: {  	_ =	swait.ge [sflag:s16], $0x80  }
0x20: {  	[sflag:s16] =	ssyncset.done $0x0  }
0x21: {  	[sflag:s16] =	ssyncadd.s32 $0xFFFFFF80  }
0x22: {  	[tilespmem:s19], [sflag:$0x5] =	stream.linear.gather [hbm4b:s10+s4], $0x80, $0x38;
	[tilespmem:$0x1E900] =	vst v63  }
0x23: {  	_ =	swait.ge [sflag:s16], $0x80  }
0x24: {  	[sflag:s16] =	ssyncset.done $0x0  }
0x25: {  	[sflag:s16] =	ssyncadd.s32 $0xFFFFFF80  }
0x26: {  	[tilespmem:s21], [sflag:$0x1] =	stream.indirect.gather [hbm4b:s1+s20], $0x80, s18, s20, $0xb8;
	[tilespmem:$0x1E900] =	vst v63  }
0x27: {  	_ = 	snop  }
0x28: {  	[tilespmem:s22], [sflag:$0x2] =	stream.indirect.gather [hbm4b:s1+s20], $0x80, s19, s20, $0xb8;
	[tilespmem:$0x1E900] =	vst v63  }
0x29: {  	_ =	swait.ge [sflag:s23], $0x4000  }
0x2a: {  	s28 =	sshrl.u32 s14, $0x3;
	[sflag:s23] =	ssyncset.done $0x0  }
0x2b: {  	s0 =	sadd.s32 s5, s28;
	[sflag:s23] =	ssyncadd.s32 $0xFFFFC000  }
0x2c: {  	[tilespmem:s18], [sflag:$0x3] =	stream.linear.gather [hbm4b:s0+s4], $0x80, $0x38;
	[tilespmem:$0x1E900] =	vst v63  }
0x2d: {  	s2 =	simm.s32 $0x14000  }
0x2e: {  	[spmem:s3] =	stream.indirect.scatter.add.f32 [tilespmem:s21], [sflag:$0x5], $0x80, s2, s20, $0xb8;
	[tilespmem:$0x1E900] =	vst v63  }
0x2f: {  	_ =	swait.ge [sflag:s16], $0x4000  }
0x30: {  	[sflag:s16] =	ssyncset.done $0x0  }
0x31: {  	[sflag:s16] =	ssyncadd.s32 $0xFFFFC000  }
0x32: {  	_ =	swait.ge [sflag:s24], $0x80  }
0x33: {  	[sflag:s24] =	ssyncset.done $0x0  }
0x34: {  	[sflag:s24] =	ssyncadd.s32 $0xFFFFFF80  }
0x35: {  	[tilespmem:s21], [sflag:$0x1] =	stream.indirect.gather [hbm4b:s1+s20], $0x80, s18, s20, $0xb8;
	[tilespmem:$0x1E900] =	vst v63  }
0x36: {  	_ =	swait.ge [sflag:s25], $0x4000  }
0x37: {  	[sflag:s25] =	ssyncset.done $0x0  }
0x38: {  	s17 =	sadd.s32 $0x0, s13;
	[sflag:s25] =	ssyncadd.s32 $0xFFFFC000  }
0x39: {  	[tilespmem:s19], [sflag:$0x4] =	stream.linear.gather [hbm4b:s17+s4], $0x80, $0x38;
	[tilespmem:$0x1E900] =	vst v63  }
0x3a: {  	s28 =	simm.s32 $0x14080  }
0x3b: {  	[spmem:s3] =	stream.indirect.scatter.add.f32 [tilespmem:s22], [sflag:$0x5], $0x80, s28, s20, $0xb8;
	[tilespmem:$0x1E900] =	vst v63  }
0x3c: {  	_ =	swait.ge [sflag:s16], $0x4000  }
0x3d: {  	[sflag:s16] =	ssyncset.done $0x0  }
0x3e: {  	[sflag:s16] =	ssyncadd.s32 $0xFFFFC000  }
0x3f: {  	_ =	swait.ge [sflag:s26], $0x80  }
0x40: {  	s31 =	simm.s32 $0x100;
	[sflag:s26] =	ssyncset.done $0x0  }
0x41: {  	s0 =	sadd.s32 $0x800, s14;
	s2 =	simm.s32 $0x14180;
	[sflag:s26] =	ssyncadd.s32 $0xFFFFFF80  }
.LBB2_2:
0x42: {  	[tilespmem:s22], [sflag:$0x2] =	stream.indirect.gather [hbm4b:s1+s20], $0x80, s19, s20, $0xb8;
	[tilespmem:$0x1E900] =	vst v63  }
0x43: {  	s17 =	smov.u32 s31  }
0x44: {  	p0 =	sne.s32 s31, $0x2600;
	s31 =	sadd.s32 $0x100, s31;
	_ =	swait.ge [sflag:s23], $0x4000  }
0x45: {  	s28 =	sshrl.u32 s0, $0x3;
	[sflag:s23] =	ssyncset.done $0x0  }
0x46: {  	s28 =	sadd.s32 s5, s28;
	[sflag:s23] =	ssyncadd.s32 $0xFFFFC000  }
0x47: {  	[tilespmem:s18], [sflag:$0x3] =	stream.linear.gather [hbm4b:s28+s4], $0x80, $0x38;
	[tilespmem:$0x1E900] =	vst v63  }
0x48: {  	s28 =	sadd.s32 $0xFFFFFF80, s2  }
0x49: {  	[spmem:s3] =	stream.indirect.scatter.add.f32 [tilespmem:s21], [sflag:$0x5], $0x80, s28, s20, $0xb8;
	[tilespmem:$0x1E900] =	vst v63  }
0x4a: {  	_ =	swait.ge [sflag:s16], $0x4000  }
0x4b: {  	[sflag:s16] =	ssyncset.done $0x0  }
0x4c: {  	[sflag:s16] =	ssyncadd.s32 $0xFFFFC000  }
0x4d: {  	_ =	swait.ge [sflag:s24], $0x80  }
0x4e: {  	[sflag:s24] =	ssyncset.done $0x0  }
0x4f: {  	[sflag:s24] =	ssyncadd.s32 $0xFFFFFF80  }
0x50: {  	[tilespmem:s21], [sflag:$0x1] =	stream.indirect.gather [hbm4b:s1+s20], $0x80, s18, s20, $0xb8;
	[tilespmem:$0x1E900] =	vst v63  }
0x51: {  	_ =	swait.ge [sflag:s25], $0x4000  }
0x52: {  	[sflag:s25] =	ssyncset.done $0x0  }
0x53: {  	s17 =	sadd.s32 s17, s13;
	[sflag:s25] =	ssyncadd.s32 $0xFFFFC000  }
0x54: {  	[tilespmem:s19], [sflag:$0x4] =	stream.linear.gather [hbm4b:s17+s4], $0x80, $0x38;
	[tilespmem:$0x1E900] =	vst v63  }
0x55: {  	_ = 	snop  }
0x56: {  	[spmem:s3] =	stream.indirect.scatter.add.f32 [tilespmem:s22], [sflag:$0x5], $0x80, s2, s20, $0xb8;
	[tilespmem:$0x1E900] =	vst v63  }
0x57: {  	_ =	swait.ge [sflag:s16], $0x4000  }
.Ltmp0:
0x58: {  	[sflag:s16] =	ssyncset.done $0x0;
	(pc) =	sbr.rel @p0 .LBB2_2-.Ltmp0, $4  }
0x59: {  	[sflag:s16] =	ssyncadd.s32 $0xFFFFC000  }
0x5a: {  	_ =	swait.ge [sflag:s26], $0x80  }
0x5b: {  	[sflag:s26] =	ssyncset.done $0x0  }
0x5c: {  	s0 =	sadd.s32 $0x800, s0;
	s2 =	sadd.s32 $0x100, s2;
	[sflag:s26] =	ssyncadd.s32 $0xFFFFFF80  }
0x5d: {  	[tilespmem:s22], [sflag:$0x2] =	stream.indirect.gather [hbm4b:s1+s20], $0x80, s19, s20, $0xb8;
	[tilespmem:$0x1E900] =	vst v63  }
0x5e: {  	_ =	swait.ge [sflag:s23], $0x4000  }
0x5f: {  	[sflag:s23] =	ssyncset.done $0x0  }
0x60: {  	s0 =	simm.s32 $0x16700;
	[sflag:s23] =	ssyncadd.s32 $0xFFFFC000  }
0x61: {  	[spmem:s3] =	stream.indirect.scatter.add.f32 [tilespmem:s21], [sflag:$0x5], $0x80, s0, s20, $0xb8;
	[tilespmem:$0x1E900] =	vst v63  }
0x62: {  	_ =	swait.ge [sflag:s16], $0x4000  }
0x63: {  	[sflag:s16] =	ssyncset.done $0x0  }
0x64: {  	[sflag:s16] =	ssyncadd.s32 $0xFFFFC000  }
0x65: {  	_ =	swait.ge [sflag:s25], $0x4000  }
0x66: {  	[sflag:s25] =	ssyncset.done $0x0  }
0x67: {  	[sflag:s25] =	ssyncadd.s32 $0xFFFFC000  }
0x68: {  	[spmem:s3] =	stream.indirect.scatter.add.f32 [tilespmem:s22], [sflag:$0x5], $0x80, s29, s20, $0xb8;
	[tilespmem:$0x1E900] =	vst v63  }
0x69: {  	_ =	swait.ge [sflag:s16], $0x4000  }
0x6a: {  	s30 =	sadd.s32 $0x1, s30;
	[sflag:s16] =	ssyncset.done $0x0  }
0x6b: {  	p0 =	sne.s32 s30, s12;
	[sflag:s16] =	ssyncadd.s32 $0xFFFFC000  }
.Ltmp1:
0x6c: {  	[bflag:$0x0] =	sbarrier.arrive $0xFFFF;
	(pc) =	sbr.rel @p0 .LBB2_1-.Ltmp1, $4  }
0x6d: {  	[hbm:s11], [sflag:s7] =	dma.local [spmem:s15], $0x2800  }
0x6e: {  	_ =	swait.ge [sflag:s16], $0x2800  }
0x6f: {  	[sflag:s16] =	ssyncset.done $0x0  }
0x70: {  	[sflag:s16] =	ssyncadd.s32 $0xFFFFD800  }
0x71: {  	_ =	sfence.sel $0x180000  }
0x72: {  	[bflag:$0x0] =	sbarrier.arrive $0xFFFF  }
0x73: {  	_ =	strace $0x9000004A  }
0x74: {  	s0 =	stileid.u32;
	[bflag:$0x2] =	sbarrier.arrive $0xFFFF  }
0x75: {  	p0 =	sne.s32 s0, $0x0;
	s0 =	rddreg [dreg:$0x3]  }
0x76: {  	s0 =	sadd.s32 @!p0 $0x100000, s0  }
0x77: {  	[sflag:s0] =	ssyncadd.tile.s32 @!p0 $0x1;
	_ =	shalt  }
.Lfunc_end2:
_tile_overlayer_lowered:
.L_overlay_start_2:
0x78: {  	(tag) =	ssettag $0x2  }
0x79: {  	s0 =	rddreg [dreg:$0x0];
	s2 =	stileid.u32  }
0x7a: {  	s1 =	rddreg [dreg:$0x1];
	p0 =	sne.s32 s2, $0x0  }
0x7b: {  	s3 =	rddreg [dreg:$0x2];
	[bflag:$0x3] =	sbarrier.arrive $0xFFFF;
	s2 =	simm.s32 @!p0 $0x1C05  }
0x7c: {  	[timem:s3], [sflag:s2] =	dma.local @!p0 [hbm:s0], s1  }
0x7d: {  	s0 =	simm.s32 @!p0 $0x5  }
0x7e: {  	_ =	swait.ge @!p0 [sflag:s0], s1  }
0x7f: {  	s1 =	ssub.s32 @!p0 $0x0, s1;
	[sflag:s0] =	ssyncset.done @!p0 $0x0  }
0x80: {  	[sflag:s0] =	ssyncadd.s32 @!p0 s1  }
0x81: {  	[bflag:$0x3] =	sbarrier.arrive $0xFFFF  }
0x82: {  	_ =	shalt  }

</sc_bundles>
